<compile_context>
chip_gen: v7x
topology: tpu7x:2x2x1
jax: 0.10.2.dev20260603
libtpu: 0.0.44.dev20260713+nightly
codegen_flags: <defaults>
</compile_context>

<pallas_src>
import jax
import jax.numpy as jnp
from jax import lax
from jax.experimental import pallas as pl
from jax.experimental.pallas import tpu as pltpu
from jax.experimental.pallas import tpu_sc as plsc

H = 128
N_NODES = 10000
N_EDGES = 320000
N_FRAMES = 5

NC = 2
NS = 16
NW = NC * NS

CHUNK = 128
NCHUNKS = N_EDGES // CHUNK

AGG_PAD = 10240
ROWS_PER_TILE = AGG_PAD // NS
ZROWS = 64

EDGE_BLK = 2000


def _pack_lo_hi(lo_f32, hi_f32):
    lo = lax.bitcast_convert_type(lo_f32, jnp.uint32)
    hi = lax.bitcast_convert_type(hi_f32, jnp.uint32)
    lo = (lo + jnp.uint32(0x8000)) >> jnp.uint32(16)
    hi = (hi + jnp.uint32(0x8000)) & jnp.uint32(0xFFFF0000)
    return lax.bitcast_convert_type(lo | hi, jnp.int32)


def _premix_body(h_ref, g_ref, ws_ref, wd_ref, be1_ref, a_ref, b_ref):
    h = h_ref[...]
    g = g_ref[...]
    dn = (((1,), (1,)), ((), ()))
    hs = lax.dot_general(h, ws_ref[...], dn, preferred_element_type=jnp.float32)
    hd = (
        lax.dot_general(h, wd_ref[...], dn, preferred_element_type=jnp.float32)
        + be1_ref[...]
    )
    a_ref[...] = _pack_lo_hi(hs, g)
    b_ref[...] = _pack_lo_hi(hd, g)


def _premix(h, g, ws, wd, be1):
    return pl.pallas_call(
        _premix_body,
        out_shape=(
            jax.ShapeDtypeStruct((N_NODES, H), jnp.int32),
            jax.ShapeDtypeStruct((N_NODES, H), jnp.int32),
        ),
    )(h, g, ws, wd, be1)


def _gather_body(a_hbm, b_hbm, src_hbm, dst_hbm,
                 oa, ob,
                 idx_s, idx_d, ba, bb, s0, s1):
    wid = lax.axis_index("s") * NC + lax.axis_index("c")
    nk = (NCHUNKS - wid + NW - 1) // NW

    def body(k, _):
        j = wid + k * NW
        base = j * CHUNK
        pltpu.sync_copy(src_hbm.at[pl.ds(base, CHUNK)], idx_s)
        pltpu.sync_copy(dst_hbm.at[pl.ds(base, CHUNK)], idx_d)
        c0 = pltpu.async_copy(a_hbm.at[idx_s], ba, s0)
        c1 = pltpu.async_copy(b_hbm.at[idx_d], bb, s1)
        c0.wait()
        c1.wait()
        pltpu.sync_copy(ba, oa.at[pl.ds(base, CHUNK)])
        pltpu.sync_copy(bb, ob.at[pl.ds(base, CHUNK)])
        return 0

    lax.fori_loop(0, nk, body, 0)


def _sc_gather(a, b, src, dst):
    mesh = plsc.VectorSubcoreMesh(core_axis_name="c", subcore_axis_name="s")
    f = pl.kernel(
        _gather_body,
        out_type=(
            jax.ShapeDtypeStruct((N_EDGES, H), jnp.int32),
            jax.ShapeDtypeStruct((N_EDGES, H), jnp.int32),
        ),
        mesh=mesh,
        scratch_types=[
            pltpu.VMEM((CHUNK,), jnp.int32),
            pltpu.VMEM((CHUNK,), jnp.int32),
            pltpu.VMEM((CHUNK, H), jnp.int32),
            pltpu.VMEM((CHUNK, H), jnp.int32),
            pltpu.SemaphoreType.DMA,
            pltpu.SemaphoreType.DMA,
        ],
    )
    return f(a, b, src, dst)


def _unpack_lo_hi(w):
    lo = lax.bitcast_convert_type(w << 16, jnp.float32)
    hi = lax.bitcast_convert_type(w & jnp.int32(-65536), jnp.float32)
    return lo, hi


def _edge_body(ba_ref, bb_ref, wg_ref, we2_ref, be2_ref, out_ref):
    a, ga = _unpack_lo_hi(ba_ref[...])
    b, gb = _unpack_lo_hi(bb_ref[...])
    gs = ga[:, 0:18]
    gd = gb[:, 0:18]
    rel = gs[:, 0:3] - gd[:, 0:3]
    dist2 = jnp.sum(rel * rel, axis=1, keepdims=True)
    dist = jnp.maximum(jnp.sqrt(dist2), 1e-8)
    inv = 1.0 / dist
    r0 = rel[:, 0:1]
    r1 = rel[:, 1:2]
    r2 = rel[:, 2:3]
    vps = (gs[:, 3:8] * r0 + gs[:, 8:13] * r1 + gs[:, 13:18] * r2) * inv
    vpd = (gd[:, 3:8] * r0 + gd[:, 8:13] * r1 + gd[:, 13:18] * r2) * inv
    zpad = jnp.zeros((dist2.shape[0], 5), jnp.float32)
    feat = jnp.concatenate([dist2, vps, vpd, zpad], axis=1)
    dn = (((1,), (1,)), ((), ()))
    pre = (
        a
        + b
        + lax.dot_general(feat, wg_ref[...], dn, preferred_element_type=jnp.float32)
    )
    m = jax.nn.silu(pre)
    mm = lax.dot_general(m, we2_ref[...], dn, preferred_element_type=jnp.float32) + be2_ref[...]
    out_ref[...] = jax.nn.silu(mm)


def _edge_mlp(ba, bb, wg16, we2, be2):
    nblk = N_EDGES // EDGE_BLK
    return pl.pallas_call(
        _edge_body,
        grid=(nblk,),
        in_specs=[
            pl.BlockSpec((EDGE_BLK, H), lambda i: (i, 0)),
            pl.BlockSpec((EDGE_BLK, H), lambda i: (i, 0)),
            pl.BlockSpec((H, 16), lambda i: (0, 0)),
            pl.BlockSpec((H, H), lambda i: (0, 0)),
            pl.BlockSpec((1, H), lambda i: (0, 0)),
        ],
        out_specs=pl.BlockSpec((EDGE_BLK, H), lambda i: (i, 0)),
        out_shape=jax.ShapeDtypeStruct((N_EDGES, H), jnp.float32),
    )(ba, bb, wg16, we2, be2)


def _scatter_body(m_hbm, dst_hbm, out_hbm, agg_sh, idx_d, buf, zbuf):
    cid = lax.axis_index("c")
    sid = lax.axis_index("s")
    wid = sid * NC + cid

    def zr(i, _):
        r = i // 8
        c = (i % 8) * 16
        zbuf[r, pl.ds(c, 16)] = jnp.zeros((16,), jnp.float32)
        return 0

    lax.fori_loop(0, ZROWS * 8, zr, 0)
    tb = sid * ROWS_PER_TILE

    def zcopy(i, _):
        pltpu.sync_copy(zbuf, agg_sh.at[pl.ds(tb + i * ZROWS, ZROWS)])
        return 0

    lax.fori_loop(0, ROWS_PER_TILE // ZROWS, zcopy, 0)
    plsc.subcore_barrier()

    nk = (NCHUNKS - wid + NW - 1) // NW

    def body(k, _):
        j = wid + k * NW
        base = j * CHUNK
        pltpu.sync_copy(dst_hbm.at[pl.ds(base, CHUNK)], idx_d)
        pltpu.sync_copy(m_hbm.at[pl.ds(base, CHUNK)], buf)
        pltpu.sync_copy(buf, agg_sh.at[idx_d], add=True)
        return 0

    lax.fori_loop(0, nk, body, 0)
    plsc.subcore_barrier()

    ob = cid * AGG_PAD + tb

    def dump(i, _):
        pltpu.sync_copy(agg_sh.at[pl.ds(tb + i * ZROWS, ZROWS)], zbuf)
        pltpu.sync_copy(zbuf, out_hbm.at[pl.ds(ob + i * ZROWS, ZROWS)])
        return 0

    lax.fori_loop(0, ROWS_PER_TILE // ZROWS, dump, 0)


def _sc_scatter(m_ij, dst):
    mesh = plsc.VectorSubcoreMesh(core_axis_name="c", subcore_axis_name="s")
    f = pl.kernel(
        _scatter_body,
        out_type=jax.ShapeDtypeStruct((NC * AGG_PAD, H), jnp.float32),
        mesh=mesh,
        scratch_types=[
            pltpu.VMEM_SHARED((AGG_PAD, H), jnp.float32),
            pltpu.VMEM((CHUNK,), jnp.int32),
            pltpu.VMEM((CHUNK, H), jnp.float32),
            pltpu.VMEM((ZROWS, H), jnp.float32),
        ],
    )
    return f(m_ij, dst)


def _node_body(h_ref, p_ref, w1a_ref, w1b_ref, bh1_ref, w2_ref, bh2_ref,
               g_ref, b_ref, out_ref):
    h = h_ref[...]
    agg = p_ref[0:N_NODES, :] + p_ref[AGG_PAD:AGG_PAD + N_NODES, :]
    dn = (((1,), (1,)), ((), ()))
    t = (
        lax.dot_general(h, w1a_ref[...], dn, preferred_element_type=jnp.float32)
        + lax.dot_general(agg, w1b_ref[...], dn, preferred_element_type=jnp.float32)
        + bh1_ref[...]
    )
    t = jax.nn.silu(t)
    dh = lax.dot_general(t, w2_ref[...], dn, preferred_element_type=jnp.float32) + bh2_ref[...]
    h2 = h + dh
    mean = jnp.mean(h2, axis=1, keepdims=True)
    cen = h2 - mean
    var = jnp.mean(cen * cen, axis=1, keepdims=True)
    out_ref[...] = cen * lax.rsqrt(var + 1e-5) * g_ref[...] + b_ref[...]


def _node_mlp(h, partials, w1a, w1b, bh1, w2, bh2, ln_g, ln_b):
    return pl.pallas_call(
        _node_body,
        out_shape=jax.ShapeDtypeStruct((N_NODES, H), jnp.float32),
    )(h, partials, w1a, w1b, bh1, w2, bh2, ln_g, ln_b)


@jax.jit
def kernel(h, x, vel_all, edge_index, We1, be1, We2, be2, Wh1, bh1, Wh2, bh2, ln_g, ln_b):
    src = edge_index[0]
    dst = edge_index[1]

    ws = We1[:, :H]
    wd = We1[:, H:2 * H]
    wg16 = jnp.zeros((H, 16), jnp.float32).at[:, :11].set(We1[:, 2 * H:])

    g = jnp.concatenate(
        [x, vel_all[:, :, 0], vel_all[:, :, 1], vel_all[:, :, 2],
         jnp.zeros((N_NODES, H - 18), jnp.float32)],
        axis=1,
    )

    a, b = _premix(h, g, ws, wd, be1.reshape(1, H))
    ba, bb = _sc_gather(a, b, src, dst)
    m_ij = _edge_mlp(ba, bb, wg16, We2, be2.reshape(1, H))
    partials = _sc_scatter(m_ij, dst)
    h_norm = _node_mlp(
        h, partials,
        Wh1[:, :H], Wh1[:, H:], bh1.reshape(1, H),
        Wh2, bh2.reshape(1, H), ln_g.reshape(1, H), ln_b.reshape(1, H),
    )
    return (h_norm, x, m_ij)

# --- scband reference (transcript-rebuilt; emitter-appended) ---
"""Pipeline reference for scband-fixed-egnnlayer-18580028522962 (READ-ONLY COPY).

The authoritative reference and input builder live on the scoring server;
editing this copy changes nothing except your own understanding.
"""

import jax, jax.numpy as jnp
import numpy as np

HIDDEN = 128
N_NODES = 10000
N_EDGES = 320000
N_FRAMES = 5


def _lin(key, fan_in, fan_out):
    k1, k2 = jax.random.split(key)
    bound = 1.0 / np.sqrt(fan_in)
    W = jax.random.uniform(k1, (fan_out, fan_in), minval=-bound, maxval=bound, dtype=jnp.float32)
    b = jax.random.uniform(k2, (fan_out,), minval=-bound, maxval=bound, dtype=jnp.float32)
    return W, b


def setup_inputs(seed: int = 0) -> dict:
    key = jax.random.key(seed)
    ks = jax.random.split(key, 9)
    h = jax.random.normal(ks[0], (N_NODES, HIDDEN), dtype=jnp.float32)
    x = jax.random.normal(ks[1], (N_NODES, 3), dtype=jnp.float32)
    vel_all = jax.random.normal(ks[2], (N_NODES, N_FRAMES, 3), dtype=jnp.float32)
    edge_index = jax.random.randint(ks[3], (2, N_EDGES), 0, N_NODES, dtype=jnp.int32)
    We1, be1 = _lin(ks[4], 2 * HIDDEN + 11, HIDDEN)
    We2, be2 = _lin(ks[5], HIDDEN, HIDDEN)
    Wh1, bh1 = _lin(ks[6], 2 * HIDDEN, HIDDEN)
    Wh2, bh2 = _lin(ks[7], HIDDEN, HIDDEN)
    ln_g = jnp.ones((HIDDEN,), dtype=jnp.float32)
    ln_b = jnp.zeros((HIDDEN,), dtype=jnp.float32)
    return {"h": h, "x": x, "vel_all": vel_all, "edge_index": edge_index,
            "We1": We1, "be1": be1, "We2": We2, "be2": be2,
            "Wh1": Wh1, "bh1": bh1, "Wh2": Wh2, "bh2": bh2,
            "ln_g": ln_g, "ln_b": ln_b}


def reference(h, x, vel_all, edge_index, We1, be1, We2, be2, Wh1, bh1, Wh2, bh2, ln_g, ln_b):
    src = edge_index[0]
    dst = edge_index[1]
    rel = x[src] - x[dst]
    dist2 = jnp.sum(rel * rel, axis=-1, keepdims=True)
    dist = jnp.maximum(jnp.sqrt(dist2), 1e-8)
    r_hat = rel / dist
    vel_proj_src = jnp.sum(vel_all[src] * r_hat[:, None, :], axis=-1)
    vel_proj_dst = jnp.sum(vel_all[dst] * r_hat[:, None, :], axis=-1)
    e_in = jnp.concatenate([h[src], h[dst], dist2, vel_proj_src, vel_proj_dst], axis=-1)
    m = jax.nn.silu(e_in @ We1.T + be1)
    m_ij = jax.nn.silu(m @ We2.T + be2)
    agg = jnp.zeros((h.shape[0], HIDDEN), dtype=m_ij.dtype).at[dst].add(m_ij)
    hh = jnp.concatenate([h, agg], axis=-1)
    dh = jax.nn.silu(hh @ Wh1.T + bh1) @ Wh2.T + bh2
    h2 = h + dh
    mean = jnp.mean(h2, axis=-1, keepdims=True)
    var = jnp.var(h2, axis=-1, keepdims=True)
    h_norm = (h2 - mean) / jnp.sqrt(var + 1e-5) * ln_g + ln_b
    return (h_norm, x, m_ij)

if __name__ == "__main__":
    import jax
    _d = setup_inputs()
    print(jax.jit(kernel)(*tuple(_d.values())))

</pallas_src>

<mosaic_0001>
#map = affine_map<(d0, d1) -> (0, 0)>
#map1 = affine_map<(d0, d1) -> (0)>
module attributes {stable_mosaic.version = 14 : i64} {
  func.func @_gather_body(%arg0: i32, %arg1: i32, %arg2: memref<10000x128xi32, #tpu.memory_space<hbm>>, %arg3: memref<10000x128xi32, #tpu.memory_space<hbm>>, %arg4: memref<320000xi32, #tpu.memory_space<hbm>>, %arg5: memref<320000xi32, #tpu.memory_space<hbm>>, %arg6: memref<320000x128xi32, #tpu.memory_space<hbm>>, %arg7: memref<320000x128xi32, #tpu.memory_space<hbm>>, %arg8: memref<128xi32, #tpu.memory_space<vmem>>, %arg9: memref<128xi32, #tpu.memory_space<vmem>>, %arg10: memref<128x128xi32, #tpu.memory_space<vmem>>, %arg11: memref<128x128xi32, #tpu.memory_space<vmem>>, %arg12: memref<!tpu.dma_semaphore, #tpu.memory_space<semaphore_mem>>, %arg13: memref<!tpu.dma_semaphore, #tpu.memory_space<semaphore_mem>>) attributes {dimension_semantics = [#tpu.dimension_semantics<core_parallel>, #tpu.dimension_semantics<subcore_parallel>], iteration_bounds = array<i64: 2, 16>, scalar_prefetch = 0 : i64, scratch_operands = 6 : i64, tpu.core_type = #tpu.core_type<sc_vector_subcore>, window_params = [{transform_indices = #map}, {transform_indices = #map}, {transform_indices = #map1}, {transform_indices = #map1}, {transform_indices = #map}, {transform_indices = #map}]} {
    %mul3A = arith.constant 2 : i32
    %mul3A_0 = arith.muli %arg1, %mul3A : i32
    %add3A = arith.addi %mul3A_0, %arg0 : i32
    %sub3A = arith.constant 2500 : i32
    %sub3A_1 = arith.subi %sub3A, %add3A : i32
    %add3A_2 = arith.constant 32 : i32
    %add3A_3 = arith.addi %sub3A_1, %add3A_2 : i32
    %sub3A_4 = arith.constant 1 : i32
    %sub3A_5 = arith.subi %add3A_3, %sub3A_4 : i32
    %jit3A = arith.constant 32 : i32
    %div3A = arith.divsi %sub3A_5, %jit3A : i32
    %sign3A = arith.constant 0 : i32
    %sign3A_6 = arith.cmpi sgt, %sub3A_5, %sign3A : i32
    %sign3A_7 = arith.extui %sign3A_6 : i1 to i32
    %sign3A_8 = arith.constant 0 : i32
    %sign3A_9 = arith.cmpi slt, %sub3A_5, %sign3A_8 : i32
    %sign3A_10 = arith.extui %sign3A_9 : i1 to i32
    %sign3A_11 = arith.subi %sign3A_7, %sign3A_10 : i32
    %sign3A_12 = arith.constant 0 : i32
    %sign3A_13 = arith.cmpi sgt, %jit3A, %sign3A_12 : i32
    %sign3A_14 = arith.extui %sign3A_13 : i1 to i32
    %sign3A_15 = arith.constant 0 : i32
    %sign3A_16 = arith.cmpi slt, %jit3A, %sign3A_15 : i32
    %sign3A_17 = arith.extui %sign3A_16 : i1 to i32
    %sign3A_18 = arith.subi %sign3A_14, %sign3A_17 : i32
    %ne3A = arith.cmpi ne, %sign3A_11, %sign3A_18 : i32
    %rem3A = arith.remsi %sub3A_5, %jit3A : i32
    %ne3A_19 = arith.constant 0 : i32
    %ne3A_20 = arith.cmpi ne, %rem3A, %ne3A_19 : i32
    %and3A = arith.andi %ne3A, %ne3A_20 : i1
    %sub3A_21 = arith.constant 1 : i32
    %sub3A_22 = arith.subi %div3A, %sub3A_21 : i32
    %select_n3A = arith.select %and3A, %sub3A_22, %div3A : i32
    %while3A = arith.constant 0 : i32
    %while3A_23 = arith.constant 0 : i32
    %while3A_24 = arith.subi %select_n3A, %while3A : i32
    %while3A_25 = arith.addi %while3A, %while3A_24 : i32
    %while3A_26 = arith.constant 1 : i32
    %while3A_27 = arith.divsi %while3A_24, %while3A_26 : i32
    %while3A_28 = arith.muli %while3A_27, %while3A_26 : i32
    %while3A_29 = arith.addi %while3A, %while3A_28 : i32
    %while3A_30 = arith.constant 1 : i32
    %while3A_31 = scf.for %while3A_34 = %while3A to %while3A_29 step %while3A_30 iter_args(%while3A_35 = %while3A_23) -> (i32)  : i32 {
      %mul3A_36 = arith.constant 32 : i32
      %mul3A_37 = arith.muli %while3A_34, %mul3A_36 : i32
      %add3A_38 = arith.addi %add3A, %mul3A_37 : i32
      %mul3A_39 = arith.constant 128 : i32
      %mul3A_40 = arith.muli %add3A_38, %mul3A_39 : i32
      "tpu.region"() ({
        %run_scoped3A = tpu.sem_alloc : memref<!tpu.dma_semaphore, #tpu.memory_space<semaphore_mem>>
        %dma_start3A_52 = tpu.memref_slice %arg4[%mul3A_40] : memref<320000xi32, #tpu.memory_space<hbm>> -> memref<128xi32, #tpu.memory_space<hbm>>
        %dma_start3A_53 = tpu.memref_slice %arg4[%mul3A_40] : memref<320000xi32, #tpu.memory_space<hbm>> -> memref<128xi32, #tpu.memory_space<hbm>>
        tpu.enqueue_dma source(%dma_start3A_53 : memref<128xi32, #tpu.memory_space<hbm>>) target(%arg8 : memref<128xi32, #tpu.memory_space<vmem>>) target_semaphore(%run_scoped3A : memref<!tpu.dma_semaphore, #tpu.memory_space<semaphore_mem>>)
        %dma_wait3A_54 = tpu.memref_slice %arg4[%mul3A_40] : memref<320000xi32, #tpu.memory_space<hbm>> -> memref<128xi32, #tpu.memory_space<hbm>>
        %dma_wait3A_55 = tpu.memref_slice %arg4[%mul3A_40] : memref<320000xi32, #tpu.memory_space<hbm>> -> memref<128xi32, #tpu.memory_space<hbm>>
        tpu.wait_dma2 semaphore(%run_scoped3A : memref<!tpu.dma_semaphore, #tpu.memory_space<semaphore_mem>>) src(%dma_wait3A_55 : memref<128xi32, #tpu.memory_space<hbm>>) dst(%arg8 : memref<128xi32, #tpu.memory_space<vmem>>)
        tpu.yield
      }) : () -> ()
      "tpu.region"() ({
        %run_scoped3A = tpu.sem_alloc : memref<!tpu.dma_semaphore, #tpu.memory_space<semaphore_mem>>
        %dma_start3A_52 = tpu.memref_slice %arg5[%mul3A_40] : memref<320000xi32, #tpu.memory_space<hbm>> -> memref<128xi32, #tpu.memory_space<hbm>>
        %dma_start3A_53 = tpu.memref_slice %arg5[%mul3A_40] : memref<320000xi32, #tpu.memory_space<hbm>> -> memref<128xi32, #tpu.memory_space<hbm>>
        tpu.enqueue_dma source(%dma_start3A_53 : memref<128xi32, #tpu.memory_space<hbm>>) target(%arg9 : memref<128xi32, #tpu.memory_space<vmem>>) target_semaphore(%run_scoped3A : memref<!tpu.dma_semaphore, #tpu.memory_space<semaphore_mem>>)
        %dma_wait3A_54 = tpu.memref_slice %arg5[%mul3A_40] : memref<320000xi32, #tpu.memory_space<hbm>> -> memref<128xi32, #tpu.memory_space<hbm>>
        %dma_wait3A_55 = tpu.memref_slice %arg5[%mul3A_40] : memref<320000xi32, #tpu.memory_space<hbm>> -> memref<128xi32, #tpu.memory_space<hbm>>
        tpu.wait_dma2 semaphore(%run_scoped3A : memref<!tpu.dma_semaphore, #tpu.memory_space<semaphore_mem>>) src(%dma_wait3A_55 : memref<128xi32, #tpu.memory_space<hbm>>) dst(%arg9 : memref<128xi32, #tpu.memory_space<vmem>>)
        tpu.yield
      }) : () -> ()
      %dma_start3A = arith.constant 0 : i32
      %dma_start3A_41 = arith.constant 0 : i32
      %dma_start3A_42 = tpu.memref_slice %arg2[%dma_start3A, %dma_start3A_41] : memref<10000x128xi32, #tpu.memory_space<hbm>> -> memref<10000x128xi32, #tpu.memory_space<hbm>>
      tpu.enqueue_indirect_dma source(%dma_start3A_42 : memref<10000x128xi32, #tpu.memory_space<hbm>>) target(%arg10 : memref<128x128xi32, #tpu.memory_space<vmem>>) offsets(%arg8 : memref<128xi32, #tpu.memory_space<vmem>>) semaphore(%arg12 : memref<!tpu.dma_semaphore, #tpu.memory_space<semaphore_mem>>)
      %dma_start3A_43 = arith.constant 0 : i32
      %dma_start3A_44 = arith.constant 0 : i32
      %dma_start3A_45 = tpu.memref_slice %arg3[%dma_start3A_43, %dma_start3A_44] : memref<10000x128xi32, #tpu.memory_space<hbm>> -> memref<10000x128xi32, #tpu.memory_space<hbm>>
      tpu.enqueue_indirect_dma source(%dma_start3A_45 : memref<10000x128xi32, #tpu.memory_space<hbm>>) target(%arg11 : memref<128x128xi32, #tpu.memory_space<vmem>>) offsets(%arg9 : memref<128xi32, #tpu.memory_space<vmem>>) semaphore(%arg13 : memref<!tpu.dma_semaphore, #tpu.memory_space<semaphore_mem>>)
      %dma_wait3A = arith.constant 0 : i32
      %dma_wait3A_46 = arith.constant 0 : i32
      %dma_wait3A_47 = tpu.memref_slice %arg2[%dma_wait3A, %dma_wait3A_46] : memref<10000x128xi32, #tpu.memory_space<hbm>> -> memref<10000x128xi32, #tpu.memory_space<hbm>>
      tpu.wait_indirect_dma semaphore(%arg12 : memref<!tpu.dma_semaphore, #tpu.memory_space<semaphore_mem>>) src(%dma_wait3A_47 : memref<10000x128xi32, #tpu.memory_space<hbm>>) dst(%arg10 : memref<128x128xi32, #tpu.memory_space<vmem>>)
      %dma_wait3A_48 = arith.constant 0 : i32
      %dma_wait3A_49 = arith.constant 0 : i32
      %dma_wait3A_50 = tpu.memref_slice %arg3[%dma_wait3A_48, %dma_wait3A_49] : memref<10000x128xi32, #tpu.memory_space<hbm>> -> memref<10000x128xi32, #tpu.memory_space<hbm>>
      tpu.wait_indirect_dma semaphore(%arg13 : memref<!tpu.dma_semaphore, #tpu.memory_space<semaphore_mem>>) src(%dma_wait3A_50 : memref<10000x128xi32, #tpu.memory_space<hbm>>) dst(%arg11 : memref<128x128xi32, #tpu.memory_space<vmem>>)
      "tpu.region"() ({
        %run_scoped3A = tpu.sem_alloc : memref<!tpu.dma_semaphore, #tpu.memory_space<semaphore_mem>>
        %dma_start3A_52 = arith.constant 0 : i32
        %dma_start3A_53 = tpu.memref_slice %arg6[%mul3A_40, %dma_start3A_52] : memref<320000x128xi32, #tpu.memory_space<hbm>> -> memref<128x128xi32, #tpu.memory_space<hbm>>
        %dma_start3A_54 = arith.constant 0 : i32
        %dma_start3A_55 = tpu.memref_slice %arg6[%mul3A_40, %dma_start3A_54] : memref<320000x128xi32, #tpu.memory_space<hbm>> -> memref<128x128xi32, #tpu.memory_space<hbm>>
        tpu.enqueue_dma source(%arg10 : memref<128x128xi32, #tpu.memory_space<vmem>>) target(%dma_start3A_55 : memref<128x128xi32, #tpu.memory_space<hbm>>) target_semaphore(%run_scoped3A : memref<!tpu.dma_semaphore, #tpu.memory_space<semaphore_mem>>)
        %dma_wait3A_56 = arith.constant 0 : i32
        %dma_wait3A_57 = tpu.memref_slice %arg6[%mul3A_40, %dma_wait3A_56] : memref<320000x128xi32, #tpu.memory_space<hbm>> -> memref<128x128xi32, #tpu.memory_space<hbm>>
        %dma_wait3A_58 = arith.constant 0 : i32
        %dma_wait3A_59 = tpu.memref_slice %arg6[%mul3A_40, %dma_wait3A_58] : memref<320000x128xi32, #tpu.memory_space<hbm>> -> memref<128x128xi32, #tpu.memory_space<hbm>>
        tpu.wait_dma2 semaphore(%run_scoped3A : memref<!tpu.dma_semaphore, #tpu.memory_space<semaphore_mem>>) src(%arg10 : memref<128x128xi32, #tpu.memory_space<vmem>>) dst(%dma_wait3A_59 : memref<128x128xi32, #tpu.memory_space<hbm>>)
        tpu.yield
      }) : () -> ()
      "tpu.region"() ({
        %run_scoped3A = tpu.sem_alloc : memref<!tpu.dma_semaphore, #tpu.memory_space<semaphore_mem>>
        %dma_start3A_52 = arith.constant 0 : i32
        %dma_start3A_53 = tpu.memref_slice %arg7[%mul3A_40, %dma_start3A_52] : memref<320000x128xi32, #tpu.memory_space<hbm>> -> memref<128x128xi32, #tpu.memory_space<hbm>>
        %dma_start3A_54 = arith.constant 0 : i32
        %dma_start3A_55 = tpu.memref_slice %arg7[%mul3A_40, %dma_start3A_54] : memref<320000x128xi32, #tpu.memory_space<hbm>> -> memref<128x128xi32, #tpu.memory_space<hbm>>
        tpu.enqueue_dma source(%arg11 : memref<128x128xi32, #tpu.memory_space<vmem>>) target(%dma_start3A_55 : memref<128x128xi32, #tpu.memory_space<hbm>>) target_semaphore(%run_scoped3A : memref<!tpu.dma_semaphore, #tpu.memory_space<semaphore_mem>>)
        %dma_wait3A_56 = arith.constant 0 : i32
        %dma_wait3A_57 = tpu.memref_slice %arg7[%mul3A_40, %dma_wait3A_56] : memref<320000x128xi32, #tpu.memory_space<hbm>> -> memref<128x128xi32, #tpu.memory_space<hbm>>
        %dma_wait3A_58 = arith.constant 0 : i32
        %dma_wait3A_59 = tpu.memref_slice %arg7[%mul3A_40, %dma_wait3A_58] : memref<320000x128xi32, #tpu.memory_space<hbm>> -> memref<128x128xi32, #tpu.memory_space<hbm>>
        tpu.wait_dma2 semaphore(%run_scoped3A : memref<!tpu.dma_semaphore, #tpu.memory_space<semaphore_mem>>) src(%arg11 : memref<128x128xi32, #tpu.memory_space<vmem>>) dst(%dma_wait3A_59 : memref<128x128xi32, #tpu.memory_space<hbm>>)
        tpu.yield
      }) : () -> ()
      %while3A_51 = arith.constant 0 : i32
      scf.yield %while3A_51 : i32
    }
    %while3A_32 = arith.constant 1 : i32
    %while3A_33 = scf.for %while3A_34 = %while3A_29 to %while3A_25 step %while3A_32 iter_args(%while3A_35 = %while3A_31) -> (i32)  : i32 {
      %mul3A_36 = arith.constant 32 : i32
      %mul3A_37 = arith.muli %while3A_34, %mul3A_36 : i32
      %add3A_38 = arith.addi %add3A, %mul3A_37 : i32
      %mul3A_39 = arith.constant 128 : i32
      %mul3A_40 = arith.muli %add3A_38, %mul3A_39 : i32
      "tpu.region"() ({
        %run_scoped3A = tpu.sem_alloc : memref<!tpu.dma_semaphore, #tpu.memory_space<semaphore_mem>>
        %dma_start3A_52 = tpu.memref_slice %arg4[%mul3A_40] : memref<320000xi32, #tpu.memory_space<hbm>> -> memref<128xi32, #tpu.memory_space<hbm>>
        %dma_start3A_53 = tpu.memref_slice %arg4[%mul3A_40] : memref<320000xi32, #tpu.memory_space<hbm>> -> memref<128xi32, #tpu.memory_space<hbm>>
        tpu.enqueue_dma source(%dma_start3A_53 : memref<128xi32, #tpu.memory_space<hbm>>) target(%arg8 : memref<128xi32, #tpu.memory_space<vmem>>) target_semaphore(%run_scoped3A : memref<!tpu.dma_semaphore, #tpu.memory_space<semaphore_mem>>)
        %dma_wait3A_54 = tpu.memref_slice %arg4[%mul3A_40] : memref<320000xi32, #tpu.memory_space<hbm>> -> memref<128xi32, #tpu.memory_space<hbm>>
        %dma_wait3A_55 = tpu.memref_slice %arg4[%mul3A_40] : memref<320000xi32, #tpu.memory_space<hbm>> -> memref<128xi32, #tpu.memory_space<hbm>>
        tpu.wait_dma2 semaphore(%run_scoped3A : memref<!tpu.dma_semaphore, #tpu.memory_space<semaphore_mem>>) src(%dma_wait3A_55 : memref<128xi32, #tpu.memory_space<hbm>>) dst(%arg8 : memref<128xi32, #tpu.memory_space<vmem>>)
        tpu.yield
      }) : () -> ()
      "tpu.region"() ({
        %run_scoped3A = tpu.sem_alloc : memref<!tpu.dma_semaphore, #tpu.memory_space<semaphore_mem>>
        %dma_start3A_52 = tpu.memref_slice %arg5[%mul3A_40] : memref<320000xi32, #tpu.memory_space<hbm>> -> memref<128xi32, #tpu.memory_space<hbm>>
        %dma_start3A_53 = tpu.memref_slice %arg5[%mul3A_40] : memref<320000xi32, #tpu.memory_space<hbm>> -> memref<128xi32, #tpu.memory_space<hbm>>
        tpu.enqueue_dma source(%dma_start3A_53 : memref<128xi32, #tpu.memory_space<hbm>>) target(%arg9 : memref<128xi32, #tpu.memory_space<vmem>>) target_semaphore(%run_scoped3A : memref<!tpu.dma_semaphore, #tpu.memory_space<semaphore_mem>>)
        %dma_wait3A_54 = tpu.memref_slice %arg5[%mul3A_40] : memref<320000xi32, #tpu.memory_space<hbm>> -> memref<128xi32, #tpu.memory_space<hbm>>
        %dma_wait3A_55 = tpu.memref_slice %arg5[%mul3A_40] : memref<320000xi32, #tpu.memory_space<hbm>> -> memref<128xi32, #tpu.memory_space<hbm>>
        tpu.wait_dma2 semaphore(%run_scoped3A : memref<!tpu.dma_semaphore, #tpu.memory_space<semaphore_mem>>) src(%dma_wait3A_55 : memref<128xi32, #tpu.memory_space<hbm>>) dst(%arg9 : memref<128xi32, #tpu.memory_space<vmem>>)
        tpu.yield
      }) : () -> ()
      %dma_start3A = arith.constant 0 : i32
      %dma_start3A_41 = arith.constant 0 : i32
      %dma_start3A_42 = tpu.memref_slice %arg2[%dma_start3A, %dma_start3A_41] : memref<10000x128xi32, #tpu.memory_space<hbm>> -> memref<10000x128xi32, #tpu.memory_space<hbm>>
      tpu.enqueue_indirect_dma source(%dma_start3A_42 : memref<10000x128xi32, #tpu.memory_space<hbm>>) target(%arg10 : memref<128x128xi32, #tpu.memory_space<vmem>>) offsets(%arg8 : memref<128xi32, #tpu.memory_space<vmem>>) semaphore(%arg12 : memref<!tpu.dma_semaphore, #tpu.memory_space<semaphore_mem>>)
      %dma_start3A_43 = arith.constant 0 : i32
      %dma_start3A_44 = arith.constant 0 : i32
      %dma_start3A_45 = tpu.memref_slice %arg3[%dma_start3A_43, %dma_start3A_44] : memref<10000x128xi32, #tpu.memory_space<hbm>> -> memref<10000x128xi32, #tpu.memory_space<hbm>>
      tpu.enqueue_indirect_dma source(%dma_start3A_45 : memref<10000x128xi32, #tpu.memory_space<hbm>>) target(%arg11 : memref<128x128xi32, #tpu.memory_space<vmem>>) offsets(%arg9 : memref<128xi32, #tpu.memory_space<vmem>>) semaphore(%arg13 : memref<!tpu.dma_semaphore, #tpu.memory_space<semaphore_mem>>)
      %dma_wait3A = arith.constant 0 : i32
      %dma_wait3A_46 = arith.constant 0 : i32
      %dma_wait3A_47 = tpu.memref_slice %arg2[%dma_wait3A, %dma_wait3A_46] : memref<10000x128xi32, #tpu.memory_space<hbm>> -> memref<10000x128xi32, #tpu.memory_space<hbm>>
      tpu.wait_indirect_dma semaphore(%arg12 : memref<!tpu.dma_semaphore, #tpu.memory_space<semaphore_mem>>) src(%dma_wait3A_47 : memref<10000x128xi32, #tpu.memory_space<hbm>>) dst(%arg10 : memref<128x128xi32, #tpu.memory_space<vmem>>)
      %dma_wait3A_48 = arith.constant 0 : i32
      %dma_wait3A_49 = arith.constant 0 : i32
      %dma_wait3A_50 = tpu.memref_slice %arg3[%dma_wait3A_48, %dma_wait3A_49] : memref<10000x128xi32, #tpu.memory_space<hbm>> -> memref<10000x128xi32, #tpu.memory_space<hbm>>
      tpu.wait_indirect_dma semaphore(%arg13 : memref<!tpu.dma_semaphore, #tpu.memory_space<semaphore_mem>>) src(%dma_wait3A_50 : memref<10000x128xi32, #tpu.memory_space<hbm>>) dst(%arg11 : memref<128x128xi32, #tpu.memory_space<vmem>>)
      "tpu.region"() ({
        %run_scoped3A = tpu.sem_alloc : memref<!tpu.dma_semaphore, #tpu.memory_space<semaphore_mem>>
        %dma_start3A_52 = arith.constant 0 : i32
        %dma_start3A_53 = tpu.memref_slice %arg6[%mul3A_40, %dma_start3A_52] : memref<320000x128xi32, #tpu.memory_space<hbm>> -> memref<128x128xi32, #tpu.memory_space<hbm>>
        %dma_start3A_54 = arith.constant 0 : i32
        %dma_start3A_55 = tpu.memref_slice %arg6[%mul3A_40, %dma_start3A_54] : memref<320000x128xi32, #tpu.memory_space<hbm>> -> memref<128x128xi32, #tpu.memory_space<hbm>>
        tpu.enqueue_dma source(%arg10 : memref<128x128xi32, #tpu.memory_space<vmem>>) target(%dma_start3A_55 : memref<128x128xi32, #tpu.memory_space<hbm>>) target_semaphore(%run_scoped3A : memref<!tpu.dma_semaphore, #tpu.memory_space<semaphore_mem>>)
        %dma_wait3A_56 = arith.constant 0 : i32
        %dma_wait3A_57 = tpu.memref_slice %arg6[%mul3A_40, %dma_wait3A_56] : memref<320000x128xi32, #tpu.memory_space<hbm>> -> memref<128x128xi32, #tpu.memory_space<hbm>>
        %dma_wait3A_58 = arith.constant 0 : i32
        %dma_wait3A_59 = tpu.memref_slice %arg6[%mul3A_40, %dma_wait3A_58] : memref<320000x128xi32, #tpu.memory_space<hbm>> -> memref<128x128xi32, #tpu.memory_space<hbm>>
        tpu.wait_dma2 semaphore(%run_scoped3A : memref<!tpu.dma_semaphore, #tpu.memory_space<semaphore_mem>>) src(%arg10 : memref<128x128xi32, #tpu.memory_space<vmem>>) dst(%dma_wait3A_59 : memref<128x128xi32, #tpu.memory_space<hbm>>)
        tpu.yield
      }) : () -> ()
      "tpu.region"() ({
        %run_scoped3A = tpu.sem_alloc : memref<!tpu.dma_semaphore, #tpu.memory_space<semaphore_mem>>
        %dma_start3A_52 = arith.constant 0 : i32
        %dma_start3A_53 = tpu.memref_slice %arg7[%mul3A_40, %dma_start3A_52] : memref<320000x128xi32, #tpu.memory_space<hbm>> -> memref<128x128xi32, #tpu.memory_space<hbm>>
        %dma_start3A_54 = arith.constant 0 : i32
        %dma_start3A_55 = tpu.memref_slice %arg7[%mul3A_40, %dma_start3A_54] : memref<320000x128xi32, #tpu.memory_space<hbm>> -> memref<128x128xi32, #tpu.memory_space<hbm>>
        tpu.enqueue_dma source(%arg11 : memref<128x128xi32, #tpu.memory_space<vmem>>) target(%dma_start3A_55 : memref<128x128xi32, #tpu.memory_space<hbm>>) target_semaphore(%run_scoped3A : memref<!tpu.dma_semaphore, #tpu.memory_space<semaphore_mem>>)
        %dma_wait3A_56 = arith.constant 0 : i32
        %dma_wait3A_57 = tpu.memref_slice %arg7[%mul3A_40, %dma_wait3A_56] : memref<320000x128xi32, #tpu.memory_space<hbm>> -> memref<128x128xi32, #tpu.memory_space<hbm>>
        %dma_wait3A_58 = arith.constant 0 : i32
        %dma_wait3A_59 = tpu.memref_slice %arg7[%mul3A_40, %dma_wait3A_58] : memref<320000x128xi32, #tpu.memory_space<hbm>> -> memref<128x128xi32, #tpu.memory_space<hbm>>
        tpu.wait_dma2 semaphore(%run_scoped3A : memref<!tpu.dma_semaphore, #tpu.memory_space<semaphore_mem>>) src(%arg11 : memref<128x128xi32, #tpu.memory_space<vmem>>) dst(%dma_wait3A_59 : memref<128x128xi32, #tpu.memory_space<hbm>>)
        tpu.yield
      }) : () -> ()
      %while3A_51 = arith.constant 0 : i32
      scf.yield %while3A_51 : i32
    }
    return
  }
}

#map = affine_map<(d0, d1) -> (0, 0)>
#map1 = affine_map<(d0, d1) -> (0)>
module attributes {stable_mosaic.version = 14 : i64} {
  func.func @_scatter_body(%arg0: i32, %arg1: i32, %arg2: memref<320000x128xf32, #tpu.memory_space<hbm>>, %arg3: memref<320000xi32, #tpu.memory_space<hbm>>, %arg4: memref<20480x128xf32, #tpu.memory_space<hbm>>, %arg5: memref<10240x128xf32, #tpu.memory_space<vmem_shared>>, %arg6: memref<128xi32, #tpu.memory_space<vmem>>, %arg7: memref<128x128xf32, #tpu.memory_space<vmem>>, %arg8: memref<64x128xf32, #tpu.memory_space<vmem>>) attributes {dimension_semantics = [#tpu.dimension_semantics<core_parallel>, #tpu.dimension_semantics<subcore_parallel>], iteration_bounds = array<i64: 2, 16>, scalar_prefetch = 0 : i64, scratch_operands = 4 : i64, tpu.core_type = #tpu.core_type<sc_vector_subcore>, window_params = [{transform_indices = #map}, {transform_indices = #map1}, {transform_indices = #map}]} {
    %mul3A = arith.constant 2 : i32
    %mul3A_0 = arith.muli %arg1, %mul3A : i32
    %add3A = arith.addi %mul3A_0, %arg0 : i32
    %scan3A = arith.constant 0 : i32
    %scan3A_1 = arith.constant 0 : i32
    %scan3A_2 = arith.constant 512 : i32
    %scan3A_3 = arith.addi %scan3A_1, %scan3A_2 : i32
    %scan3A_4 = arith.constant 1 : i32
    %scan3A_5 = scf.for %scan3A_60 = %scan3A_1 to %scan3A_3 step %scan3A_4 iter_args(%scan3A_61 = %scan3A) -> (i32)  : i32 {
      %jit3A_62 = arith.constant 8 : i32
      %div3A_63 = arith.divsi %scan3A_60, %jit3A_62 : i32
      %sign3A_64 = arith.constant 0 : i32
      %sign3A_65 = arith.cmpi sgt, %scan3A_60, %sign3A_64 : i32
      %sign3A_66 = arith.extui %sign3A_65 : i1 to i32
      %sign3A_67 = arith.constant 0 : i32
      %sign3A_68 = arith.cmpi slt, %scan3A_60, %sign3A_67 : i32
      %sign3A_69 = arith.extui %sign3A_68 : i1 to i32
      %sign3A_70 = arith.subi %sign3A_66, %sign3A_69 : i32
      %sign3A_71 = arith.constant 0 : i32
      %sign3A_72 = arith.cmpi sgt, %jit3A_62, %sign3A_71 : i32
      %sign3A_73 = arith.extui %sign3A_72 : i1 to i32
      %sign3A_74 = arith.constant 0 : i32
      %sign3A_75 = arith.cmpi slt, %jit3A_62, %sign3A_74 : i32
      %sign3A_76 = arith.extui %sign3A_75 : i1 to i32
      %sign3A_77 = arith.subi %sign3A_73, %sign3A_76 : i32
      %ne3A_78 = arith.cmpi ne, %sign3A_70, %sign3A_77 : i32
      %rem3A_79 = arith.remsi %scan3A_60, %jit3A_62 : i32
      %ne3A_80 = arith.constant 0 : i32
      %ne3A_81 = arith.cmpi ne, %rem3A_79, %ne3A_80 : i32
      %and3A_82 = arith.andi %ne3A_78, %ne3A_81 : i1
      %sub3A_83 = arith.constant 1 : i32
      %sub3A_84 = arith.subi %div3A_63, %sub3A_83 : i32
      %select_n3A_85 = arith.select %and3A_82, %sub3A_84, %div3A_63 : i32
      %jit3A_86 = arith.constant 8 : i32
      %eq3A = arith.constant 0 : i32
      %eq3A_87 = arith.cmpi eq, %jit3A_86, %eq3A : i32
      %jit3A_88 = arith.constant 1 : i32
      %select_n3A_89 = arith.select %eq3A_87, %jit3A_88, %jit3A_86 : i32
      %rem3A_90 = arith.remsi %scan3A_60, %select_n3A_89 : i32
      %ne3A_91 = arith.constant 0 : i32
      %ne3A_92 = arith.cmpi ne, %rem3A_90, %ne3A_91 : i32
      %lt3A = arith.constant 0 : i32
      %lt3A_93 = arith.cmpi slt, %rem3A_90, %lt3A : i32
      %lt3A_94 = arith.constant 0 : i32
      %lt3A_95 = arith.cmpi slt, %select_n3A_89, %lt3A_94 : i32
      %ne3A_96 = arith.xori %lt3A_93, %lt3A_95 : i1
      %and3A_97 = arith.andi %ne3A_96, %ne3A_92 : i1
      %add3A_98 = arith.addi %rem3A_90, %select_n3A_89 : i32
      %select_n3A_99 = arith.select %and3A_97, %add3A_98, %rem3A_90 : i32
      %mul3A_100 = arith.constant 16 : i32
      %mul3A_101 = arith.muli %select_n3A_99, %mul3A_100 : i32
      %broadcast_in_dim3A = arith.constant 0.000000e+00 : f32
      %broadcast_in_dim3A_102 = vector.broadcast %broadcast_in_dim3A : f32 to vector<16xf32>
      %swap3A = arith.index_cast %select_n3A_85 : i32 to index
      %swap3A_103 = arith.index_cast %mul3A_101 : i32 to index
      %swap3A_104 = tpu.vector_load %arg8[%swap3A, %swap3A_103] {strides = array<i32>} : memref<64x128xf32, #tpu.memory_space<vmem>>, vector<1x16xf32>,
      %swap3A_105 = vector.shape_cast %swap3A_104 : vector<1x16xf32> to vector<16xf32>
      %swap3A_106 = vector.shape_cast %broadcast_in_dim3A_102 : vector<16xf32> to vector<1x16xf32>
      tpu.vector_store %arg8[%swap3A, %swap3A_103], %swap3A_106 {strides = array<i32>} : memref<64x128xf32, #tpu.memory_space<vmem>>, vector<1x16xf32>,
      %scan3A_107 = arith.constant 0 : i32
      scf.yield %scan3A_107 : i32
    }
    %scan3A_6 = arith.constant 512 : i32
    %mul3A_7 = arith.constant 640 : i32
    %mul3A_8 = arith.muli %arg1, %mul3A_7 : i32
    %scan3A_9 = arith.constant 0 : i32
    %scan3A_10 = arith.constant 0 : i32
    %scan3A_11 = arith.constant 10 : i32
    %scan3A_12 = arith.addi %scan3A_10, %scan3A_11 : i32
    %scan3A_13 = arith.constant 1 : i32
    %scan3A_14 = scf.for %scan3A_60 = %scan3A_10 to %scan3A_12 step %scan3A_13 iter_args(%scan3A_61 = %scan3A_9) -> (i32)  : i32 {
      %mul3A_62 = arith.constant 64 : i32
      %mul3A_63 = arith.muli %scan3A_60, %mul3A_62 : i32
      %add3A_64 = arith.addi %mul3A_8, %mul3A_63 : i32
      "tpu.region"() ({
        %run_scoped3A = tpu.sem_alloc : memref<!tpu.dma_semaphore, #tpu.memory_space<semaphore_mem>>
        %dma_start3A = arith.constant 0 : i32
        %dma_start3A_66 = tpu.memref_slice %arg5[%add3A_64, %dma_start3A] : memref<10240x128xf32, #tpu.memory_space<vmem_shared>> -> memref<64x128xf32, #tpu.memory_space<vmem_shared>>
        %dma_start3A_67 = arith.constant 0 : i32
        %dma_start3A_68 = tpu.memref_slice %arg5[%add3A_64, %dma_start3A_67] : memref<10240x128xf32, #tpu.memory_space<vmem_shared>> -> memref<64x128xf32, #tpu.memory_space<vmem_shared>>
        tpu.enqueue_dma source(%arg8 : memref<64x128xf32, #tpu.memory_space<vmem>>) target(%dma_start3A_68 : memref<64x128xf32, #tpu.memory_space<vmem_shared>>) target_semaphore(%run_scoped3A : memref<!tpu.dma_semaphore, #tpu.memory_space<semaphore_mem>>)
        %dma_wait3A = arith.constant 0 : i32
        %dma_wait3A_69 = tpu.memref_slice %arg5[%add3A_64, %dma_wait3A] : memref<10240x128xf32, #tpu.memory_space<vmem_shared>> -> memref<64x128xf32, #tpu.memory_space<vmem_shared>>
        %dma_wait3A_70 = arith.constant 0 : i32
        %dma_wait3A_71 = tpu.memref_slice %arg5[%add3A_64, %dma_wait3A_70] : memref<10240x128xf32, #tpu.memory_space<vmem_shared>> -> memref<64x128xf32, #tpu.memory_space<vmem_shared>>
        tpu.wait_dma2 semaphore(%run_scoped3A : memref<!tpu.dma_semaphore, #tpu.memory_space<semaphore_mem>>) src(%arg8 : memref<64x128xf32, #tpu.memory_space<vmem>>) dst(%dma_wait3A_71 : memref<64x128xf32, #tpu.memory_space<vmem_shared>>)
        tpu.yield
      }) : () -> ()
      %scan3A_65 = arith.constant 0 : i32
      scf.yield %scan3A_65 : i32
    }
    %scan3A_15 = arith.constant 10 : i32
    %barrier3A = arith.constant 0 : index
    tpu.barrier barrier_id(%barrier3A)
    %sub3A = arith.constant 2500 : i32
    %sub3A_16 = arith.subi %sub3A, %add3A : i32
    %add3A_17 = arith.constant 32 : i32
    %add3A_18 = arith.addi %sub3A_16, %add3A_17 : i32
    %sub3A_19 = arith.constant 1 : i32
    %sub3A_20 = arith.subi %add3A_18, %sub3A_19 : i32
    %jit3A = arith.constant 32 : i32
    %div3A = arith.divsi %sub3A_20, %jit3A : i32
    %sign3A = arith.constant 0 : i32
    %sign3A_21 = arith.cmpi sgt, %sub3A_20, %sign3A : i32
    %sign3A_22 = arith.extui %sign3A_21 : i1 to i32
    %sign3A_23 = arith.constant 0 : i32
    %sign3A_24 = arith.cmpi slt, %sub3A_20, %sign3A_23 : i32
    %sign3A_25 = arith.extui %sign3A_24 : i1 to i32
    %sign3A_26 = arith.subi %sign3A_22, %sign3A_25 : i32
    %sign3A_27 = arith.constant 0 : i32
    %sign3A_28 = arith.cmpi sgt, %jit3A, %sign3A_27 : i32
    %sign3A_29 = arith.extui %sign3A_28 : i1 to i32
    %sign3A_30 = arith.constant 0 : i32
    %sign3A_31 = arith.cmpi slt, %jit3A, %sign3A_30 : i32
    %sign3A_32 = arith.extui %sign3A_31 : i1 to i32
    %sign3A_33 = arith.subi %sign3A_29, %sign3A_32 : i32
    %ne3A = arith.cmpi ne, %sign3A_26, %sign3A_33 : i32
    %rem3A = arith.remsi %sub3A_20, %jit3A : i32
    %ne3A_34 = arith.constant 0 : i32
    %ne3A_35 = arith.cmpi ne, %rem3A, %ne3A_34 : i32
    %and3A = arith.andi %ne3A, %ne3A_35 : i1
    %sub3A_36 = arith.constant 1 : i32
    %sub3A_37 = arith.subi %div3A, %sub3A_36 : i32
    %select_n3A = arith.select %and3A, %sub3A_37, %div3A : i32
    %while3A = arith.constant 0 : i32
    %while3A_38 = arith.constant 0 : i32
    %while3A_39 = arith.subi %select_n3A, %while3A : i32
    %while3A_40 = arith.addi %while3A, %while3A_39 : i32
    %while3A_41 = arith.constant 1 : i32
    %while3A_42 = arith.divsi %while3A_39, %while3A_41 : i32
    %while3A_43 = arith.muli %while3A_42, %while3A_41 : i32
    %while3A_44 = arith.addi %while3A, %while3A_43 : i32
    %while3A_45 = arith.constant 1 : i32
    %while3A_46 = scf.for %while3A_60 = %while3A to %while3A_44 step %while3A_45 iter_args(%while3A_61 = %while3A_38) -> (i32)  : i32 {
      %mul3A_62 = arith.constant 32 : i32
      %mul3A_63 = arith.muli %while3A_60, %mul3A_62 : i32
      %add3A_64 = arith.addi %add3A, %mul3A_63 : i32
      %mul3A_65 = arith.constant 128 : i32
      %mul3A_66 = arith.muli %add3A_64, %mul3A_65 : i32
      "tpu.region"() ({
        %run_scoped3A = tpu.sem_alloc : memref<!tpu.dma_semaphore, #tpu.memory_space<semaphore_mem>>
        %dma_start3A = tpu.memref_slice %arg3[%mul3A_66] : memref<320000xi32, #tpu.memory_space<hbm>> -> memref<128xi32, #tpu.memory_space<hbm>>
        %dma_start3A_68 = tpu.memref_slice %arg3[%mul3A_66] : memref<320000xi32, #tpu.memory_space<hbm>> -> memref<128xi32, #tpu.memory_space<hbm>>
        tpu.enqueue_dma source(%dma_start3A_68 : memref<128xi32, #tpu.memory_space<hbm>>) target(%arg6 : memref<128xi32, #tpu.memory_space<vmem>>) target_semaphore(%run_scoped3A : memref<!tpu.dma_semaphore, #tpu.memory_space<semaphore_mem>>)
        %dma_wait3A = tpu.memref_slice %arg3[%mul3A_66] : memref<320000xi32, #tpu.memory_space<hbm>> -> memref<128xi32, #tpu.memory_space<hbm>>
        %dma_wait3A_69 = tpu.memref_slice %arg3[%mul3A_66] : memref<320000xi32, #tpu.memory_space<hbm>> -> memref<128xi32, #tpu.memory_space<hbm>>
        tpu.wait_dma2 semaphore(%run_scoped3A : memref<!tpu.dma_semaphore, #tpu.memory_space<semaphore_mem>>) src(%dma_wait3A_69 : memref<128xi32, #tpu.memory_space<hbm>>) dst(%arg6 : memref<128xi32, #tpu.memory_space<vmem>>)
        tpu.yield
      }) : () -> ()
      "tpu.region"() ({
        %run_scoped3A = tpu.sem_alloc : memref<!tpu.dma_semaphore, #tpu.memory_space<semaphore_mem>>
        %dma_start3A = arith.constant 0 : i32
        %dma_start3A_68 = tpu.memref_slice %arg2[%mul3A_66, %dma_start3A] : memref<320000x128xf32, #tpu.memory_space<hbm>> -> memref<128x128xf32, #tpu.memory_space<hbm>>
        %dma_start3A_69 = arith.constant 0 : i32
        %dma_start3A_70 = tpu.memref_slice %arg2[%mul3A_66, %dma_start3A_69] : memref<320000x128xf32, #tpu.memory_space<hbm>> -> memref<128x128xf32, #tpu.memory_space<hbm>>
        tpu.enqueue_dma source(%dma_start3A_70 : memref<128x128xf32, #tpu.memory_space<hbm>>) target(%arg7 : memref<128x128xf32, #tpu.memory_space<vmem>>) target_semaphore(%run_scoped3A : memref<!tpu.dma_semaphore, #tpu.memory_space<semaphore_mem>>)
        %dma_wait3A = arith.constant 0 : i32
        %dma_wait3A_71 = tpu.memref_slice %arg2[%mul3A_66, %dma_wait3A] : memref<320000x128xf32, #tpu.memory_space<hbm>> -> memref<128x128xf32, #tpu.memory_space<hbm>>
        %dma_wait3A_72 = arith.constant 0 : i32
        %dma_wait3A_73 = tpu.memref_slice %arg2[%mul3A_66, %dma_wait3A_72] : memref<320000x128xf32, #tpu.memory_space<hbm>> -> memref<128x128xf32, #tpu.memory_space<hbm>>
        tpu.wait_dma2 semaphore(%run_scoped3A : memref<!tpu.dma_semaphore, #tpu.memory_space<semaphore_mem>>) src(%dma_wait3A_73 : memref<128x128xf32, #tpu.memory_space<hbm>>) dst(%arg7 : memref<128x128xf32, #tpu.memory_space<vmem>>)
        tpu.yield
      }) : () -> ()
      "tpu.region"() ({
        %run_scoped3A = tpu.sem_alloc : memref<!tpu.dma_semaphore, #tpu.memory_space<semaphore_mem>>
        %dma_start3A = arith.constant 0 : i32
        %dma_start3A_68 = arith.constant 0 : i32
        %dma_start3A_69 = tpu.memref_slice %arg5[%dma_start3A, %dma_start3A_68] : memref<10240x128xf32, #tpu.memory_space<vmem_shared>> -> memref<10240x128xf32, #tpu.memory_space<vmem_shared>>
        tpu.enqueue_indirect_dma source(%arg7 : memref<128x128xf32, #tpu.memory_space<vmem>>) target(%dma_start3A_69 : memref<10240x128xf32, #tpu.memory_space<vmem_shared>>) offsets(%arg6 : memref<128xi32, #tpu.memory_space<vmem>>) semaphore(%run_scoped3A : memref<!tpu.dma_semaphore, #tpu.memory_space<semaphore_mem>>) {add = true}
        %dma_wait3A = arith.constant 0 : i32
        %dma_wait3A_70 = arith.constant 0 : i32
        %dma_wait3A_71 = tpu.memref_slice %arg5[%dma_wait3A, %dma_wait3A_70] : memref<10240x128xf32, #tpu.memory_space<vmem_shared>> -> memref<10240x128xf32, #tpu.memory_space<vmem_shared>>
        tpu.wait_indirect_dma semaphore(%run_scoped3A : memref<!tpu.dma_semaphore, #tpu.memory_space<semaphore_mem>>) src(%arg7 : memref<128x128xf32, #tpu.memory_space<vmem>>) dst(%dma_wait3A_71 : memref<10240x128xf32, #tpu.memory_space<vmem_shared>>)
        tpu.yield
      }) : () -> ()
      %while3A_67 = arith.constant 0 : i32
      scf.yield %while3A_67 : i32
    }
    %while3A_47 = arith.constant 1 : i32
    %while3A_48 = scf.for %while3A_60 = %while3A_44 to %while3A_40 step %while3A_47 iter_args(%while3A_61 = %while3A_46) -> (i32)  : i32 {
      %mul3A_62 = arith.constant 32 : i32
      %mul3A_63 = arith.muli %while3A_60, %mul3A_62 : i32
      %add3A_64 = arith.addi %add3A, %mul3A_63 : i32
      %mul3A_65 = arith.constant 128 : i32
      %mul3A_66 = arith.muli %add3A_64, %mul3A_65 : i32
      "tpu.region"() ({
        %run_scoped3A = tpu.sem_alloc : memref<!tpu.dma_semaphore, #tpu.memory_space<semaphore_mem>>
        %dma_start3A = tpu.memref_slice %arg3[%mul3A_66] : memref<320000xi32, #tpu.memory_space<hbm>> -> memref<128xi32, #tpu.memory_space<hbm>>
        %dma_start3A_68 = tpu.memref_slice %arg3[%mul3A_66] : memref<320000xi32, #tpu.memory_space<hbm>> -> memref<128xi32, #tpu.memory_space<hbm>>
        tpu.enqueue_dma source(%dma_start3A_68 : memref<128xi32, #tpu.memory_space<hbm>>) target(%arg6 : memref<128xi32, #tpu.memory_space<vmem>>) target_semaphore(%run_scoped3A : memref<!tpu.dma_semaphore, #tpu.memory_space<semaphore_mem>>)
        %dma_wait3A = tpu.memref_slice %arg3[%mul3A_66] : memref<320000xi32, #tpu.memory_space<hbm>> -> memref<128xi32, #tpu.memory_space<hbm>>
        %dma_wait3A_69 = tpu.memref_slice %arg3[%mul3A_66] : memref<320000xi32, #tpu.memory_space<hbm>> -> memref<128xi32, #tpu.memory_space<hbm>>
        tpu.wait_dma2 semaphore(%run_scoped3A : memref<!tpu.dma_semaphore, #tpu.memory_space<semaphore_mem>>) src(%dma_wait3A_69 : memref<128xi32, #tpu.memory_space<hbm>>) dst(%arg6 : memref<128xi32, #tpu.memory_space<vmem>>)
        tpu.yield
      }) : () -> ()
      "tpu.region"() ({
        %run_scoped3A = tpu.sem_alloc : memref<!tpu.dma_semaphore, #tpu.memory_space<semaphore_mem>>
        %dma_start3A = arith.constant 0 : i32
        %dma_start3A_68 = tpu.memref_slice %arg2[%mul3A_66, %dma_start3A] : memref<320000x128xf32, #tpu.memory_space<hbm>> -> memref<128x128xf32, #tpu.memory_space<hbm>>
        %dma_start3A_69 = arith.constant 0 : i32
        %dma_start3A_70 = tpu.memref_slice %arg2[%mul3A_66, %dma_start3A_69] : memref<320000x128xf32, #tpu.memory_space<hbm>> -> memref<128x128xf32, #tpu.memory_space<hbm>>
        tpu.enqueue_dma source(%dma_start3A_70 : memref<128x128xf32, #tpu.memory_space<hbm>>) target(%arg7 : memref<128x128xf32, #tpu.memory_space<vmem>>) target_semaphore(%run_scoped3A : memref<!tpu.dma_semaphore, #tpu.memory_space<semaphore_mem>>)
        %dma_wait3A = arith.constant 0 : i32
        %dma_wait3A_71 = tpu.memref_slice %arg2[%mul3A_66, %dma_wait3A] : memref<320000x128xf32, #tpu.memory_space<hbm>> -> memref<128x128xf32, #tpu.memory_space<hbm>>
        %dma_wait3A_72 = arith.constant 0 : i32
        %dma_wait3A_73 = tpu.memref_slice %arg2[%mul3A_66, %dma_wait3A_72] : memref<320000x128xf32, #tpu.memory_space<hbm>> -> memref<128x128xf32, #tpu.memory_space<hbm>>
        tpu.wait_dma2 semaphore(%run_scoped3A : memref<!tpu.dma_semaphore, #tpu.memory_space<semaphore_mem>>) src(%dma_wait3A_73 : memref<128x128xf32, #tpu.memory_space<hbm>>) dst(%arg7 : memref<128x128xf32, #tpu.memory_space<vmem>>)
        tpu.yield
      }) : () -> ()
      "tpu.region"() ({
        %run_scoped3A = tpu.sem_alloc : memref<!tpu.dma_semaphore, #tpu.memory_space<semaphore_mem>>
        %dma_start3A = arith.constant 0 : i32
        %dma_start3A_68 = arith.constant 0 : i32
        %dma_start3A_69 = tpu.memref_slice %arg5[%dma_start3A, %dma_start3A_68] : memref<10240x128xf32, #tpu.memory_space<vmem_shared>> -> memref<10240x128xf32, #tpu.memory_space<vmem_shared>>
        tpu.enqueue_indirect_dma source(%arg7 : memref<128x128xf32, #tpu.memory_space<vmem>>) target(%dma_start3A_69 : memref<10240x128xf32, #tpu.memory_space<vmem_shared>>) offsets(%arg6 : memref<128xi32, #tpu.memory_space<vmem>>) semaphore(%run_scoped3A : memref<!tpu.dma_semaphore, #tpu.memory_space<semaphore_mem>>) {add = true}
        %dma_wait3A = arith.constant 0 : i32
        %dma_wait3A_70 = arith.constant 0 : i32
        %dma_wait3A_71 = tpu.memref_slice %arg5[%dma_wait3A, %dma_wait3A_70] : memref<10240x128xf32, #tpu.memory_space<vmem_shared>> -> memref<10240x128xf32, #tpu.memory_space<vmem_shared>>
        tpu.wait_indirect_dma semaphore(%run_scoped3A : memref<!tpu.dma_semaphore, #tpu.memory_space<semaphore_mem>>) src(%arg7 : memref<128x128xf32, #tpu.memory_space<vmem>>) dst(%dma_wait3A_71 : memref<10240x128xf32, #tpu.memory_space<vmem_shared>>)
        tpu.yield
      }) : () -> ()
      %while3A_67 = arith.constant 0 : i32
      scf.yield %while3A_67 : i32
    }
    %barrier3A_49 = arith.constant 0 : index
    tpu.barrier barrier_id(%barrier3A_49)
    %mul3A_50 = arith.constant 10240 : i32
    %mul3A_51 = arith.muli %arg0, %mul3A_50 : i32
    %add3A_52 = arith.addi %mul3A_51, %mul3A_8 : i32
    %scan3A_53 = arith.constant 0 : i32
    %scan3A_54 = arith.constant 0 : i32
    %scan3A_55 = arith.constant 10 : i32
    %scan3A_56 = arith.addi %scan3A_54, %scan3A_55 : i32
    %scan3A_57 = arith.constant 1 : i32
    %scan3A_58 = scf.for %scan3A_60 = %scan3A_54 to %scan3A_56 step %scan3A_57 iter_args(%scan3A_61 = %scan3A_53) -> (i32)  : i32 {
      %mul3A_62 = arith.constant 64 : i32
      %mul3A_63 = arith.muli %scan3A_60, %mul3A_62 : i32
      %add3A_64 = arith.addi %mul3A_8, %mul3A_63 : i32
      "tpu.region"() ({
        %run_scoped3A = tpu.sem_alloc : memref<!tpu.dma_semaphore, #tpu.memory_space<semaphore_mem>>
        %dma_start3A = arith.constant 0 : i32
        %dma_start3A_69 = tpu.memref_slice %arg5[%add3A_64, %dma_start3A] : memref<10240x128xf32, #tpu.memory_space<vmem_shared>> -> memref<64x128xf32, #tpu.memory_space<vmem_shared>>
        %dma_start3A_70 = arith.constant 0 : i32
        %dma_start3A_71 = tpu.memref_slice %arg5[%add3A_64, %dma_start3A_70] : memref<10240x128xf32, #tpu.memory_space<vmem_shared>> -> memref<64x128xf32, #tpu.memory_space<vmem_shared>>
        tpu.enqueue_dma source(%dma_start3A_71 : memref<64x128xf32, #tpu.memory_space<vmem_shared>>) target(%arg8 : memref<64x128xf32, #tpu.memory_space<vmem>>) target_semaphore(%run_scoped3A : memref<!tpu.dma_semaphore, #tpu.memory_space<semaphore_mem>>)
        %dma_wait3A = arith.constant 0 : i32
        %dma_wait3A_72 = tpu.memref_slice %arg5[%add3A_64, %dma_wait3A] : memref<10240x128xf32, #tpu.memory_space<vmem_shared>> -> memref<64x128xf32, #tpu.memory_space<vmem_shared>>
        %dma_wait3A_73 = arith.constant 0 : i32
        %dma_wait3A_74 = tpu.memref_slice %arg5[%add3A_64, %dma_wait3A_73] : memref<10240x128xf32, #tpu.memory_space<vmem_shared>> -> memref<64x128xf32, #tpu.memory_space<vmem_shared>>
        tpu.wait_dma2 semaphore(%run_scoped3A : memref<!tpu.dma_semaphore, #tpu.memory_space<semaphore_mem>>) src(%dma_wait3A_74 : memref<64x128xf32, #tpu.memory_space<vmem_shared>>) dst(%arg8 : memref<64x128xf32, #tpu.memory_space<vmem>>)
        tpu.yield
      }) : () -> ()
      %mul3A_65 = arith.constant 64 : i32
      %mul3A_66 = arith.muli %scan3A_60, %mul3A_65 : i32
      %add3A_67 = arith.addi %add3A_52, %mul3A_66 : i32
      "tpu.region"() ({
        %run_scoped3A = tpu.sem_alloc : memref<!tpu.dma_semaphore, #tpu.memory_space<semaphore_mem>>
        %dma_start3A = arith.constant 0 : i32
        %dma_start3A_69 = tpu.memref_slice %arg4[%add3A_67, %dma_start3A] : memref<20480x128xf32, #tpu.memory_space<hbm>> -> memref<64x128xf32, #tpu.memory_space<hbm>>
        %dma_start3A_70 = arith.constant 0 : i32
        %dma_start3A_71 = tpu.memref_slice %arg4[%add3A_67, %dma_start3A_70] : memref<20480x128xf32, #tpu.memory_space<hbm>> -> memref<64x128xf32, #tpu.memory_space<hbm>>
        tpu.enqueue_dma source(%arg8 : memref<64x128xf32, #tpu.memory_space<vmem>>) target(%dma_start3A_71 : memref<64x128xf32, #tpu.memory_space<hbm>>) target_semaphore(%run_scoped3A : memref<!tpu.dma_semaphore, #tpu.memory_space<semaphore_mem>>)
        %dma_wait3A = arith.constant 0 : i32
        %dma_wait3A_72 = tpu.memref_slice %arg4[%add3A_67, %dma_wait3A] : memref<20480x128xf32, #tpu.memory_space<hbm>> -> memref<64x128xf32, #tpu.memory_space<hbm>>
        %dma_wait3A_73 = arith.constant 0 : i32
        %dma_wait3A_74 = tpu.memref_slice %arg4[%add3A_67, %dma_wait3A_73] : memref<20480x128xf32, #tpu.memory_space<hbm>> -> memref<64x128xf32, #tpu.memory_space<hbm>>
        tpu.wait_dma2 semaphore(%run_scoped3A : memref<!tpu.dma_semaphore, #tpu.memory_space<semaphore_mem>>) src(%arg8 : memref<64x128xf32, #tpu.memory_space<vmem>>) dst(%dma_wait3A_74 : memref<64x128xf32, #tpu.memory_space<hbm>>)
        tpu.yield
      }) : () -> ()
      %scan3A_68 = arith.constant 0 : i32
      scf.yield %scan3A_68 : i32
    }
    %scan3A_59 = arith.constant 10 : i32
    return
  }
}

module attributes {stable_mosaic.version = 14 : i64} {
  func.func @_premix_body(%arg0: memref<10000x128xf32, #tpu.memory_space<vmem>>, %arg1: memref<10000x128xf32, #tpu.memory_space<vmem>>, %arg2: memref<128x128xf32, #tpu.memory_space<vmem>>, %arg3: memref<128x128xf32, #tpu.memory_space<vmem>>, %arg4: memref<1x128xf32, #tpu.memory_space<vmem>>, %arg5: memref<10000x128xi32, #tpu.memory_space<vmem>>, %arg6: memref<10000x128xi32, #tpu.memory_space<vmem>>) attributes {dimension_semantics = [], scalar_prefetch = 0 : i64, scratch_operands = 0 : i64, tpu.core_type = #tpu.core_type<tc>} {
    %get3A = arith.constant 0 : index
    %get3A_0 = arith.constant 0 : index
    %get3A_1 = vector.load %arg0[%get3A, %get3A_0] : memref<10000x128xf32, #tpu.memory_space<vmem>>, vector<10000x128xf32>
    %get3A_2 = arith.constant 0 : index
    %get3A_3 = arith.constant 0 : index
    %get3A_4 = vector.load %arg1[%get3A_2, %get3A_3] : memref<10000x128xf32, #tpu.memory_space<vmem>>, vector<10000x128xf32>
    %get3A_5 = arith.constant 0 : index
    %get3A_6 = arith.constant 0 : index
    %get3A_7 = vector.load %arg2[%get3A_5, %get3A_6] : memref<128x128xf32, #tpu.memory_space<vmem>>, vector<128x128xf32>
    %dot_general3A = arith.constant dense<0.000000e+00> : vector<10000x128xf32>
    %dot_general3A_8 = tpu.matmul %get3A_1, %get3A_7, %dot_general3A {dimension_numbers = #tpu.dot_dimension_numbers<[1], [1], [0], [0], [0, 0, 1, 0], [], []>, transpose_lhs_hint = false} : vector<10000x128xf32>, vector<128x128xf32>, vector<10000x128xf32> -> vector<10000x128xf32>
    %get3A_9 = arith.constant 0 : index
    %get3A_10 = arith.constant 0 : index
    %get3A_11 = vector.load %arg3[%get3A_9, %get3A_10] : memref<128x128xf32, #tpu.memory_space<vmem>>, vector<128x128xf32>
    %dot_general3A_12 = arith.constant dense<0.000000e+00> : vector<10000x128xf32>
    %dot_general3A_13 = tpu.matmul %get3A_1, %get3A_11, %dot_general3A_12 {dimension_numbers = #tpu.dot_dimension_numbers<[1], [1], [0], [0], [0, 0, 1, 0], [], []>, transpose_lhs_hint = false} : vector<10000x128xf32>, vector<128x128xf32>, vector<10000x128xf32> -> vector<10000x128xf32>
    %get3A_14 = arith.constant 0 : index
    %get3A_15 = arith.constant 0 : index
    %get3A_16 = vector.load %arg4[%get3A_14, %get3A_15] : memref<1x128xf32, #tpu.memory_space<vmem>>, vector<1x128xf32>
    %add3A = vector.broadcast %get3A_16 : vector<1x128xf32> to vector<10000x128xf32>
    %add3A_17 = arith.addf %dot_general3A_13, %add3A : vector<10000x128xf32>
    %bitcast_convert_type3A = tpu.bitcast %dot_general3A_8 : vector<10000x128xf32> -> vector<10000x128xi32>
    %bitcast_convert_type3A_18 = tpu.bitcast %get3A_4 : vector<10000x128xf32> -> vector<10000x128xi32>
    %add3A_19 = arith.constant 32768 : i32
    %add3A_20 = vector.broadcast %add3A_19 : i32 to vector<10000x128xi32>
    %add3A_21 = arith.addi %bitcast_convert_type3A, %add3A_20 : vector<10000x128xi32>
    %shift_right_logical3A = arith.constant 16 : i32
    %shift_right_logical3A_22 = vector.broadcast %shift_right_logical3A : i32 to vector<10000x128xi32>
    %shift_right_logical3A_23 = arith.shrui %add3A_21, %shift_right_logical3A_22 : vector<10000x128xi32>
    %add3A_24 = arith.constant 32768 : i32
    %add3A_25 = vector.broadcast %add3A_24 : i32 to vector<10000x128xi32>
    %add3A_26 = arith.addi %bitcast_convert_type3A_18, %add3A_25 : vector<10000x128xi32>
    %and3A = arith.constant -65536 : i32
    %and3A_27 = vector.broadcast %and3A : i32 to vector<10000x128xi32>
    %and3A_28 = arith.andi %add3A_26, %and3A_27 : vector<10000x128xi32>
    %or3A = arith.ori %shift_right_logical3A_23, %and3A_28 : vector<10000x128xi32>
    %bitcast_convert_type3A_29 = tpu.bitcast %or3A : vector<10000x128xi32> -> vector<10000x128xi32>
    %swap3A = arith.constant 0 : index
    %swap3A_30 = arith.constant 0 : index
    %swap3A_31 = vector.load %arg5[%swap3A, %swap3A_30] : memref<10000x128xi32, #tpu.memory_space<vmem>>, vector<10000x128xi32>
    tpu.vector_store %arg5[%swap3A, %swap3A_30], %bitcast_convert_type3A_29 {strides = array<i32>} : memref<10000x128xi32, #tpu.memory_space<vmem>>, vector<10000x128xi32>,
    %bitcast_convert_type3A_32 = tpu.bitcast %add3A_17 : vector<10000x128xf32> -> vector<10000x128xi32>
    %bitcast_convert_type3A_33 = tpu.bitcast %get3A_4 : vector<10000x128xf32> -> vector<10000x128xi32>
    %add3A_34 = arith.constant 32768 : i32
    %add3A_35 = vector.broadcast %add3A_34 : i32 to vector<10000x128xi32>
    %add3A_36 = arith.addi %bitcast_convert_type3A_32, %add3A_35 : vector<10000x128xi32>
    %shift_right_logical3A_37 = arith.constant 16 : i32
    %shift_right_logical3A_38 = vector.broadcast %shift_right_logical3A_37 : i32 to vector<10000x128xi32>
    %shift_right_logical3A_39 = arith.shrui %add3A_36, %shift_right_logical3A_38 : vector<10000x128xi32>
    %add3A_40 = arith.constant 32768 : i32
    %add3A_41 = vector.broadcast %add3A_40 : i32 to vector<10000x128xi32>
    %add3A_42 = arith.addi %bitcast_convert_type3A_33, %add3A_41 : vector<10000x128xi32>
    %and3A_43 = arith.constant -65536 : i32
    %and3A_44 = vector.broadcast %and3A_43 : i32 to vector<10000x128xi32>
    %and3A_45 = arith.andi %add3A_42, %and3A_44 : vector<10000x128xi32>
    %or3A_46 = arith.ori %shift_right_logical3A_39, %and3A_45 : vector<10000x128xi32>
    %bitcast_convert_type3A_47 = tpu.bitcast %or3A_46 : vector<10000x128xi32> -> vector<10000x128xi32>
    %swap3A_48 = arith.constant 0 : index
    %swap3A_49 = arith.constant 0 : index
    %swap3A_50 = vector.load %arg6[%swap3A_48, %swap3A_49] : memref<10000x128xi32, #tpu.memory_space<vmem>>, vector<10000x128xi32>
    tpu.vector_store %arg6[%swap3A_48, %swap3A_49], %bitcast_convert_type3A_47 {strides = array<i32>} : memref<10000x128xi32, #tpu.memory_space<vmem>>, vector<10000x128xi32>,
    return
  }
}

module attributes {stable_mosaic.version = 14 : i64} {
  func.func @_edge_body(%arg0: i32, %arg1: memref<2000x128xi32, #tpu.memory_space<vmem>>, %arg2: memref<2000x128xi32, #tpu.memory_space<vmem>>, %arg3: memref<128x16xf32, #tpu.memory_space<vmem>>, %arg4: memref<128x128xf32, #tpu.memory_space<vmem>>, %arg5: memref<1x128xf32, #tpu.memory_space<vmem>>, %arg6: memref<2000x128xf32, #tpu.memory_space<vmem>>) attributes {dimension_semantics = [#tpu.dimension_semantics<arbitrary>], iteration_bounds = array<i64: 160>, scalar_prefetch = 0 : i64, scratch_operands = 0 : i64, tpu.core_type = #tpu.core_type<tc>, window_params = [{transform_indices = @transform_0, window_bounds = array<i64: 2000, 128>}, {transform_indices = @transform_1, window_bounds = array<i64: 2000, 128>}, {pipeline_mode = #tpu.pipeline_mode<synchronous>, transform_indices = @transform_2, window_bounds = array<i64: 128, 16>}, {pipeline_mode = #tpu.pipeline_mode<synchronous>, transform_indices = @transform_3, window_bounds = array<i64: 128, 128>}, {pipeline_mode = #tpu.pipeline_mode<synchronous>, transform_indices = @transform_4, window_bounds = array<i64: 1, 128>}, {transform_indices = @transform_5, window_bounds = array<i64: 2000, 128>}]} {
    %get3A = arith.constant 0 : index
    %get3A_0 = arith.constant 0 : index
    %get3A_1 = vector.load %arg1[%get3A, %get3A_0] : memref<2000x128xi32, #tpu.memory_space<vmem>>, vector<2000x128xi32>
    %shift_left3A = arith.constant 16 : i32
    %shift_left3A_2 = vector.broadcast %shift_left3A : i32 to vector<2000x128xi32>
    %shift_left3A_3 = arith.shli %get3A_1, %shift_left3A_2 : vector<2000x128xi32>
    %bitcast_convert_type3A = tpu.bitcast %shift_left3A_3 : vector<2000x128xi32> -> vector<2000x128xf32>
    %and3A = arith.constant -65536 : i32
    %and3A_4 = vector.broadcast %and3A : i32 to vector<2000x128xi32>
    %and3A_5 = arith.andi %get3A_1, %and3A_4 : vector<2000x128xi32>
    %bitcast_convert_type3A_6 = tpu.bitcast %and3A_5 : vector<2000x128xi32> -> vector<2000x128xf32>
    %get3A_7 = arith.constant 0 : index
    %get3A_8 = arith.constant 0 : index
    %get3A_9 = vector.load %arg2[%get3A_7, %get3A_8] : memref<2000x128xi32, #tpu.memory_space<vmem>>, vector<2000x128xi32>
    %shift_left3A_10 = arith.constant 16 : i32
    %shift_left3A_11 = vector.broadcast %shift_left3A_10 : i32 to vector<2000x128xi32>
    %shift_left3A_12 = arith.shli %get3A_9, %shift_left3A_11 : vector<2000x128xi32>
    %bitcast_convert_type3A_13 = tpu.bitcast %shift_left3A_12 : vector<2000x128xi32> -> vector<2000x128xf32>
    %and3A_14 = arith.constant -65536 : i32
    %and3A_15 = vector.broadcast %and3A_14 : i32 to vector<2000x128xi32>
    %and3A_16 = arith.andi %get3A_9, %and3A_15 : vector<2000x128xi32>
    %bitcast_convert_type3A_17 = tpu.bitcast %and3A_16 : vector<2000x128xi32> -> vector<2000x128xf32>
    %slice3A = vector.extract_strided_slice %bitcast_convert_type3A_6 {offsets = [0, 0], sizes = [2000, 18], strides = [1, 1]} : vector<2000x128xf32> to vector<2000x18xf32>
    %slice3A_18 = vector.extract_strided_slice %bitcast_convert_type3A_17 {offsets = [0, 0], sizes = [2000, 18], strides = [1, 1]} : vector<2000x128xf32> to vector<2000x18xf32>
    %slice3A_19 = vector.extract_strided_slice %slice3A {offsets = [0, 0], sizes = [2000, 3], strides = [1, 1]} : vector<2000x18xf32> to vector<2000x3xf32>
    %slice3A_20 = vector.extract_strided_slice %slice3A_18 {offsets = [0, 0], sizes = [2000, 3], strides = [1, 1]} : vector<2000x18xf32> to vector<2000x3xf32>
    %sub3A = arith.subf %slice3A_19, %slice3A_20 : vector<2000x3xf32>
    %mul3A = arith.mulf %sub3A, %sub3A : vector<2000x3xf32>
    %reduce_sum3A = arith.constant dense<0.000000e+00> : vector<2000xf32>
    %reduce_sum3A_21 = vector.multi_reduction <add>, %mul3A, %reduce_sum3A [1] : vector<2000x3xf32> to vector<2000xf32>
    %broadcast_in_dim3A = vector.shape_cast %reduce_sum3A_21 : vector<2000xf32> to vector<2000x1xf32>
    %sqrt3A = math.sqrt %broadcast_in_dim3A : vector<2000x1xf32>
    %max3A = arith.constant 9.99999993E-9 : f32
    %max3A_22 = vector.broadcast %max3A : f32 to vector<2000x1xf32>
    %max3A_23 = arith.maximumf %sqrt3A, %max3A_22 : vector<2000x1xf32>
    %div3A = arith.constant 1.000000e+00 : f32
    %div3A_24 = vector.broadcast %div3A : f32 to vector<2000x1xf32>
    %div3A_25 = arith.divf %div3A_24, %max3A_23 : vector<2000x1xf32>
    %slice3A_26 = vector.extract_strided_slice %sub3A {offsets = [0, 0], sizes = [2000, 1], strides = [1, 1]} : vector<2000x3xf32> to vector<2000x1xf32>
    %slice3A_27 = vector.extract_strided_slice %sub3A {offsets = [0, 1], sizes = [2000, 1], strides = [1, 1]} : vector<2000x3xf32> to vector<2000x1xf32>
    %slice3A_28 = vector.extract_strided_slice %sub3A {offsets = [0, 2], sizes = [2000, 1], strides = [1, 1]} : vector<2000x3xf32> to vector<2000x1xf32>
    %slice3A_29 = vector.extract_strided_slice %slice3A {offsets = [0, 3], sizes = [2000, 5], strides = [1, 1]} : vector<2000x18xf32> to vector<2000x5xf32>
    %mul3A_30 = vector.broadcast %slice3A_26 : vector<2000x1xf32> to vector<2000x5xf32>
    %mul3A_31 = arith.mulf %slice3A_29, %mul3A_30 : vector<2000x5xf32>
    %slice3A_32 = vector.extract_strided_slice %slice3A {offsets = [0, 8], sizes = [2000, 5], strides = [1, 1]} : vector<2000x18xf32> to vector<2000x5xf32>
    %mul3A_33 = vector.broadcast %slice3A_27 : vector<2000x1xf32> to vector<2000x5xf32>
    %mul3A_34 = arith.mulf %slice3A_32, %mul3A_33 : vector<2000x5xf32>
    %add3A = arith.addf %mul3A_31, %mul3A_34 : vector<2000x5xf32>
    %slice3A_35 = vector.extract_strided_slice %slice3A {offsets = [0, 13], sizes = [2000, 5], strides = [1, 1]} : vector<2000x18xf32> to vector<2000x5xf32>
    %mul3A_36 = vector.broadcast %slice3A_28 : vector<2000x1xf32> to vector<2000x5xf32>
    %mul3A_37 = arith.mulf %slice3A_35, %mul3A_36 : vector<2000x5xf32>
    %add3A_38 = arith.addf %add3A, %mul3A_37 : vector<2000x5xf32>
    %mul3A_39 = vector.broadcast %div3A_25 : vector<2000x1xf32> to vector<2000x5xf32>
    %mul3A_40 = arith.mulf %add3A_38, %mul3A_39 : vector<2000x5xf32>
    %slice3A_41 = vector.extract_strided_slice %slice3A_18 {offsets = [0, 3], sizes = [2000, 5], strides = [1, 1]} : vector<2000x18xf32> to vector<2000x5xf32>
    %mul3A_42 = vector.broadcast %slice3A_26 : vector<2000x1xf32> to vector<2000x5xf32>
    %mul3A_43 = arith.mulf %slice3A_41, %mul3A_42 : vector<2000x5xf32>
    %slice3A_44 = vector.extract_strided_slice %slice3A_18 {offsets = [0, 8], sizes = [2000, 5], strides = [1, 1]} : vector<2000x18xf32> to vector<2000x5xf32>
    %mul3A_45 = vector.broadcast %slice3A_27 : vector<2000x1xf32> to vector<2000x5xf32>
    %mul3A_46 = arith.mulf %slice3A_44, %mul3A_45 : vector<2000x5xf32>
    %add3A_47 = arith.addf %mul3A_43, %mul3A_46 : vector<2000x5xf32>
    %slice3A_48 = vector.extract_strided_slice %slice3A_18 {offsets = [0, 13], sizes = [2000, 5], strides = [1, 1]} : vector<2000x18xf32> to vector<2000x5xf32>
    %mul3A_49 = vector.broadcast %slice3A_28 : vector<2000x1xf32> to vector<2000x5xf32>
    %mul3A_50 = arith.mulf %slice3A_48, %mul3A_49 : vector<2000x5xf32>
    %add3A_51 = arith.addf %add3A_47, %mul3A_50 : vector<2000x5xf32>
    %mul3A_52 = vector.broadcast %div3A_25 : vector<2000x1xf32> to vector<2000x5xf32>
    %mul3A_53 = arith.mulf %add3A_51, %mul3A_52 : vector<2000x5xf32>
    %broadcast_in_dim3A_54 = arith.constant 0.000000e+00 : f32
    %broadcast_in_dim3A_55 = vector.broadcast %broadcast_in_dim3A_54 : f32 to vector<2000x5xf32>
    %concatenate3A = tpu.concatenate %broadcast_in_dim3A, %mul3A_40, %mul3A_53, %broadcast_in_dim3A_55 in 1 : vector<2000x1xf32>, vector<2000x5xf32>, vector<2000x5xf32>, vector<2000x5xf32> -> vector<2000x16xf32>
    %add3A_56 = arith.addf %bitcast_convert_type3A, %bitcast_convert_type3A_13 : vector<2000x128xf32>
    %get3A_57 = arith.constant 0 : index
    %get3A_58 = arith.constant 0 : index
    %get3A_59 = vector.load %arg3[%get3A_57, %get3A_58] : memref<128x16xf32, #tpu.memory_space<vmem>>, vector<128x16xf32>
    %dot_general3A = arith.constant dense<0.000000e+00> : vector<2000x128xf32>
    %dot_general3A_60 = tpu.matmul %concatenate3A, %get3A_59, %dot_general3A {dimension_numbers = #tpu.dot_dimension_numbers<[1], [1], [0], [0], [0, 0, 1, 0], [], []>, transpose_lhs_hint = false} : vector<2000x16xf32>, vector<128x16xf32>, vector<2000x128xf32> -> vector<2000x128xf32>
    %add3A_61 = arith.addf %add3A_56, %dot_general3A_60 : vector<2000x128xf32>
    %logistic3A = arith.negf %add3A_61 : vector<2000x128xf32>
    %logistic3A_62 = math.exp %logistic3A : vector<2000x128xf32>
    %logistic3A_63 = arith.constant 1.000000e+00 : f32
    %logistic3A_64 = vector.broadcast %logistic3A_63 : f32 to vector<2000x128xf32>
    %logistic3A_65 = arith.addf %logistic3A_64, %logistic3A_62 : vector<2000x128xf32>
    %logistic3A_66 = arith.divf %logistic3A_64, %logistic3A_65 : vector<2000x128xf32>
    %mul3A_67 = arith.mulf %add3A_61, %logistic3A_66 : vector<2000x128xf32>
    %get3A_68 = arith.constant 0 : index
    %get3A_69 = arith.constant 0 : index
    %get3A_70 = vector.load %arg4[%get3A_68, %get3A_69] : memref<128x128xf32, #tpu.memory_space<vmem>>, vector<128x128xf32>
    %dot_general3A_71 = arith.constant dense<0.000000e+00> : vector<2000x128xf32>
    %dot_general3A_72 = tpu.matmul %mul3A_67, %get3A_70, %dot_general3A_71 {dimension_numbers = #tpu.dot_dimension_numbers<[1], [1], [0], [0], [0, 0, 1, 0], [], []>, transpose_lhs_hint = false} : vector<2000x128xf32>, vector<128x128xf32>, vector<2000x128xf32> -> vector<2000x128xf32>
    %get3A_73 = arith.constant 0 : index
    %get3A_74 = arith.constant 0 : index
    %get3A_75 = vector.load %arg5[%get3A_73, %get3A_74] : memref<1x128xf32, #tpu.memory_space<vmem>>, vector<1x128xf32>
    %add3A_76 = vector.broadcast %get3A_75 : vector<1x128xf32> to vector<2000x128xf32>
    %add3A_77 = arith.addf %dot_general3A_72, %add3A_76 : vector<2000x128xf32>
    %logistic3A_78 = arith.negf %add3A_77 : vector<2000x128xf32>
    %logistic3A_79 = math.exp %logistic3A_78 : vector<2000x128xf32>
    %logistic3A_80 = arith.constant 1.000000e+00 : f32
    %logistic3A_81 = vector.broadcast %logistic3A_80 : f32 to vector<2000x128xf32>
    %logistic3A_82 = arith.addf %logistic3A_81, %logistic3A_79 : vector<2000x128xf32>
    %logistic3A_83 = arith.divf %logistic3A_81, %logistic3A_82 : vector<2000x128xf32>
    %mul3A_84 = arith.mulf %add3A_77, %logistic3A_83 : vector<2000x128xf32>
    %swap3A = arith.constant 0 : index
    %swap3A_85 = arith.constant 0 : index
    %swap3A_86 = vector.load %arg6[%swap3A, %swap3A_85] : memref<2000x128xf32, #tpu.memory_space<vmem>>, vector<2000x128xf32>
    tpu.vector_store %arg6[%swap3A, %swap3A_85], %mul3A_84 {strides = array<i32>} : memref<2000x128xf32, #tpu.memory_space<vmem>>, vector<2000x128xf32>,
    return
  }
  func.func @transform_0(%arg0: i32) -> (i32, i32) {
    %c0_i32 = arith.constant 0 : i32
    %c0_i32_0 = arith.constant 0 : i32
    return %arg0, %c0_i32 : i32, i32
  }
  func.func @transform_1(%arg0: i32) -> (i32, i32) {
    %c0_i32 = arith.constant 0 : i32
    %c0_i32_0 = arith.constant 0 : i32
    return %arg0, %c0_i32 : i32, i32
  }
  func.func @transform_2(%arg0: i32) -> (i32, i32) {
    %c0_i32 = arith.constant 0 : i32
    %c0_i32_0 = arith.constant 0 : i32
    %c0_i32_1 = arith.constant 0 : i32
    return %c0_i32, %c0_i32_0 : i32, i32
  }
  func.func @transform_3(%arg0: i32) -> (i32, i32) {
    %c0_i32 = arith.constant 0 : i32
    %c0_i32_0 = arith.constant 0 : i32
    %c0_i32_1 = arith.constant 0 : i32
    return %c0_i32, %c0_i32_0 : i32, i32
  }
  func.func @transform_4(%arg0: i32) -> (i32, i32) {
    %c0_i32 = arith.constant 0 : i32
    %c0_i32_0 = arith.constant 0 : i32
    %c0_i32_1 = arith.constant 0 : i32
    return %c0_i32, %c0_i32_0 : i32, i32
  }
  func.func @transform_5(%arg0: i32) -> (i32, i32) {
    %c0_i32 = arith.constant 0 : i32
    %c0_i32_0 = arith.constant 0 : i32
    return %arg0, %c0_i32 : i32, i32
  }
}

module attributes {stable_mosaic.version = 14 : i64} {
  func.func @_node_body(%arg0: memref<10000x128xf32, #tpu.memory_space<vmem>>, %arg1: memref<20480x128xf32, #tpu.memory_space<vmem>>, %arg2: memref<128x128xf32, #tpu.memory_space<vmem>>, %arg3: memref<128x128xf32, #tpu.memory_space<vmem>>, %arg4: memref<1x128xf32, #tpu.memory_space<vmem>>, %arg5: memref<128x128xf32, #tpu.memory_space<vmem>>, %arg6: memref<1x128xf32, #tpu.memory_space<vmem>>, %arg7: memref<1x128xf32, #tpu.memory_space<vmem>>, %arg8: memref<1x128xf32, #tpu.memory_space<vmem>>, %arg9: memref<10000x128xf32, #tpu.memory_space<vmem>>) attributes {dimension_semantics = [], scalar_prefetch = 0 : i64, scratch_operands = 0 : i64, tpu.core_type = #tpu.core_type<tc>} {
    %get3A = arith.constant 0 : index
    %get3A_0 = arith.constant 0 : index
    %get3A_1 = vector.load %arg0[%get3A, %get3A_0] : memref<10000x128xf32, #tpu.memory_space<vmem>>, vector<10000x128xf32>
    %get3A_2 = arith.constant 0 : index
    %get3A_3 = arith.constant 0 : index
    %get3A_4 = vector.load %arg1[%get3A_2, %get3A_3] : memref<20480x128xf32, #tpu.memory_space<vmem>>, vector<10000x128xf32>
    %get3A_5 = arith.constant 10240 : index
    %get3A_6 = arith.constant 0 : index
    %get3A_7 = vector.load %arg1[%get3A_5, %get3A_6] : memref<20480x128xf32, #tpu.memory_space<vmem>>, vector<10000x128xf32>
    %add3A = arith.addf %get3A_4, %get3A_7 : vector<10000x128xf32>
    %get3A_8 = arith.constant 0 : index
    %get3A_9 = arith.constant 0 : index
    %get3A_10 = vector.load %arg2[%get3A_8, %get3A_9] : memref<128x128xf32, #tpu.memory_space<vmem>>, vector<128x128xf32>
    %dot_general3A = arith.constant dense<0.000000e+00> : vector<10000x128xf32>
    %dot_general3A_11 = tpu.matmul %get3A_1, %get3A_10, %dot_general3A {dimension_numbers = #tpu.dot_dimension_numbers<[1], [1], [0], [0], [0, 0, 1, 0], [], []>, transpose_lhs_hint = false} : vector<10000x128xf32>, vector<128x128xf32>, vector<10000x128xf32> -> vector<10000x128xf32>
    %get3A_12 = arith.constant 0 : index
    %get3A_13 = arith.constant 0 : index
    %get3A_14 = vector.load %arg3[%get3A_12, %get3A_13] : memref<128x128xf32, #tpu.memory_space<vmem>>, vector<128x128xf32>
    %dot_general3A_15 = arith.constant dense<0.000000e+00> : vector<10000x128xf32>
    %dot_general3A_16 = tpu.matmul %add3A, %get3A_14, %dot_general3A_15 {dimension_numbers = #tpu.dot_dimension_numbers<[1], [1], [0], [0], [0, 0, 1, 0], [], []>, transpose_lhs_hint = false} : vector<10000x128xf32>, vector<128x128xf32>, vector<10000x128xf32> -> vector<10000x128xf32>
    %add3A_17 = arith.addf %dot_general3A_11, %dot_general3A_16 : vector<10000x128xf32>
    %get3A_18 = arith.constant 0 : index
    %get3A_19 = arith.constant 0 : index
    %get3A_20 = vector.load %arg4[%get3A_18, %get3A_19] : memref<1x128xf32, #tpu.memory_space<vmem>>, vector<1x128xf32>
    %add3A_21 = vector.broadcast %get3A_20 : vector<1x128xf32> to vector<10000x128xf32>
    %add3A_22 = arith.addf %add3A_17, %add3A_21 : vector<10000x128xf32>
    %logistic3A = arith.negf %add3A_22 : vector<10000x128xf32>
    %logistic3A_23 = math.exp %logistic3A : vector<10000x128xf32>
    %logistic3A_24 = arith.constant 1.000000e+00 : f32
    %logistic3A_25 = vector.broadcast %logistic3A_24 : f32 to vector<10000x128xf32>
    %logistic3A_26 = arith.addf %logistic3A_25, %logistic3A_23 : vector<10000x128xf32>
    %logistic3A_27 = arith.divf %logistic3A_25, %logistic3A_26 : vector<10000x128xf32>
    %mul3A = arith.mulf %add3A_22, %logistic3A_27 : vector<10000x128xf32>
    %get3A_28 = arith.constant 0 : index
    %get3A_29 = arith.constant 0 : index
    %get3A_30 = vector.load %arg5[%get3A_28, %get3A_29] : memref<128x128xf32, #tpu.memory_space<vmem>>, vector<128x128xf32>
    %dot_general3A_31 = arith.constant dense<0.000000e+00> : vector<10000x128xf32>
    %dot_general3A_32 = tpu.matmul %mul3A, %get3A_30, %dot_general3A_31 {dimension_numbers = #tpu.dot_dimension_numbers<[1], [1], [0], [0], [0, 0, 1, 0], [], []>, transpose_lhs_hint = false} : vector<10000x128xf32>, vector<128x128xf32>, vector<10000x128xf32> -> vector<10000x128xf32>
    %get3A_33 = arith.constant 0 : index
    %get3A_34 = arith.constant 0 : index
    %get3A_35 = vector.load %arg6[%get3A_33, %get3A_34] : memref<1x128xf32, #tpu.memory_space<vmem>>, vector<1x128xf32>
    %add3A_36 = vector.broadcast %get3A_35 : vector<1x128xf32> to vector<10000x128xf32>
    %add3A_37 = arith.addf %dot_general3A_32, %add3A_36 : vector<10000x128xf32>
    %add3A_38 = arith.addf %get3A_1, %add3A_37 : vector<10000x128xf32>
    %reduce_sum3A = arith.constant dense<0.000000e+00> : vector<10000xf32>
    %reduce_sum3A_39 = vector.multi_reduction <add>, %add3A_38, %reduce_sum3A [1] : vector<10000x128xf32> to vector<10000xf32>
    %broadcast_in_dim3A = vector.shape_cast %reduce_sum3A_39 : vector<10000xf32> to vector<10000x1xf32>
    %div3A = arith.constant 1.280000e+02 : f32
    %div3A_40 = vector.broadcast %div3A : f32 to vector<10000x1xf32>
    %div3A_41 = arith.divf %broadcast_in_dim3A, %div3A_40 : vector<10000x1xf32>
    %sub3A = vector.broadcast %div3A_41 : vector<10000x1xf32> to vector<10000x128xf32>
    %sub3A_42 = arith.subf %add3A_38, %sub3A : vector<10000x128xf32>
    %mul3A_43 = arith.mulf %sub3A_42, %sub3A_42 : vector<10000x128xf32>
    %reduce_sum3A_44 = arith.constant dense<0.000000e+00> : vector<10000xf32>
    %reduce_sum3A_45 = vector.multi_reduction <add>, %mul3A_43, %reduce_sum3A_44 [1] : vector<10000x128xf32> to vector<10000xf32>
    %broadcast_in_dim3A_46 = vector.shape_cast %reduce_sum3A_45 : vector<10000xf32> to vector<10000x1xf32>
    %div3A_47 = arith.constant 1.280000e+02 : f32
    %div3A_48 = vector.broadcast %div3A_47 : f32 to vector<10000x1xf32>
    %div3A_49 = arith.divf %broadcast_in_dim3A_46, %div3A_48 : vector<10000x1xf32>
    %add3A_50 = arith.constant 9.99999974E-6 : f32
    %add3A_51 = vector.broadcast %add3A_50 : f32 to vector<10000x1xf32>
    %add3A_52 = arith.addf %div3A_49, %add3A_51 : vector<10000x1xf32>
    %rsqrt3A = math.rsqrt %add3A_52 : vector<10000x1xf32>
    %mul3A_53 = vector.broadcast %rsqrt3A : vector<10000x1xf32> to vector<10000x128xf32>
    %mul3A_54 = arith.mulf %sub3A_42, %mul3A_53 : vector<10000x128xf32>
    %get3A_55 = arith.constant 0 : index
    %get3A_56 = arith.constant 0 : index
    %get3A_57 = vector.load %arg7[%get3A_55, %get3A_56] : memref<1x128xf32, #tpu.memory_space<vmem>>, vector<1x128xf32>
    %mul3A_58 = vector.broadcast %get3A_57 : vector<1x128xf32> to vector<10000x128xf32>
    %mul3A_59 = arith.mulf %mul3A_54, %mul3A_58 : vector<10000x128xf32>
    %get3A_60 = arith.constant 0 : index
    %get3A_61 = arith.constant 0 : index
    %get3A_62 = vector.load %arg8[%get3A_60, %get3A_61] : memref<1x128xf32, #tpu.memory_space<vmem>>, vector<1x128xf32>
    %add3A_63 = vector.broadcast %get3A_62 : vector<1x128xf32> to vector<10000x128xf32>
    %add3A_64 = arith.addf %mul3A_59, %add3A_63 : vector<10000x128xf32>
    %swap3A = arith.constant 0 : index
    %swap3A_65 = arith.constant 0 : index
    %swap3A_66 = vector.load %arg9[%swap3A, %swap3A_65] : memref<10000x128xf32, #tpu.memory_space<vmem>>, vector<10000x128xf32>
    tpu.vector_store %arg9[%swap3A, %swap3A_65], %add3A_64 {strides = array<i32>} : memref<10000x128xf32, #tpu.memory_space<vmem>>, vector<10000x128xf32>,
    return
  }
}

</mosaic_0001>

<sc_bundles>
// kernel: kernel.10.cloned.1.call-start
scs
__scs_entry_jumppad:
0x0: {  	(pc) =	sbr.rel $0x88, $3  }
0x1: {  	(tag) =	ssettag $0x0;
	lr =	simm.s32 $0x1  }
0x2: {  	[smem:$0x3F93] =	sst lr;
	_ =	strace $0xD0000000  }
0x3: {  	_ = 	snop  }
0x4: {  	_ = 	snop  }
0x5: {  	_ = 	snop  }
0x6: {  	_ = 	snop  }
0x7: {  	_ = 	snop  }
__scs_overlays_trampoline_lowered:
0x8: {  	[smem:$0x3FA2] =	sst s0  }
0x9: {  	[smem:$0x3FA3] =	sst s1  }
0xa: {  	[smem:$0x3FA4] =	sst s2  }
0xb: {  	[smem:$0x3FA5] =	sst s3  }
0xc: {  	[smem:$0x3FA6] =	sst s4  }
0xd: {  	[smem:$0x3FA7] =	sst s5  }
0xe: {  	[smem:$0x3FA8] =	sst s6  }
0xf: {  	[smem:$0x3FA9] =	sst s7  }
0x10: {  	[smem:$0x3FAA] =	sst s8  }
0x11: {  	[smem:$0x3FAB] =	sst s9;
	s0 =	simm.s32 @!p0 $0x0  }
0x12: {  	s1 =	sld [smem:$0x3F91];
	s0 =	simm.s32 @p0 $0x1  }
0x13: {  	[smem:$0x3FAC] =	sst s0;
	s0 =	simm.s32 @!p1 $0x0  }
0x14: {  	s2 =	sld [smem:$0x3F90];
	s0 =	simm.s32 @p1 $0x1  }
0x15: {  	[smem:$0x3FAD] =	sst s0;
	s0 =	simm.s32 @!p2 $0x0  }
0x16: {  	s3 =	sld [smem:$0x3FDB];
	s0 =	simm.s32 @p2 $0x1  }
0x17: {  	s4 =	simm.s32 $0x1BF5;
	[smem:$0x3FAF] =	sst s0  }
0x18: {  	s0 =	sld [smem:$0x3F92];
	_ =	swait.ge [sflag:s4], $0x0  }
0x19: {  	s7 =	sld [smem:$0x3F93]  }
0x1a: {  	s8 =	sadd.s32 $0xFFFFE003, lr  }
0x1b: {  	s9 =	sadd.s32 $0xFFFFFEF7, lr;
	s5 =	simm.s32 $0xFFFFFFFF;
	p2 =	slt.u32 s8, $0xFFFFF086  }
0x1c: {  	p1 =	slt.u32 s9, $0xF7A;
	s5 =	simm.s32 @!p2 $0x0  }
0x1d: {  	s5 =	simm.s32 @p1 $0x1;
	p0 =	seq.s32 s7, s2  }
0x1e: {  	s7 =	smul.u32 @!p0 $0xF7A, s2;
	p2 =	seq.s32 @!p0 s5, $0x0  }
0x1f: {  	s9 =	smul.u32 $0xF7A, s1;
	s8 =	simm.s32 @!p0 $0x1BF5;
	p2 =	por !p2, p0  }
0x20: {  	[sflag:s8] =	ssyncset.s32 @!p0 $0xFFFFF086;
	s6 =	sadd.s32 @!p0 s3, s7;
	s7 =	simm.s32 @!p0 $0x108  }
0x21: {  	s3 =	sadd.s32 s3, s9;
	s6 =	sadd.s32 @!p0 $0x88, s6;
	s7 =	simm.s32 @p2 $0x1082  }
0x22: {  	[simem:s7], [sflag:s8] =	dma.local @!p0 [hbm:s6], $0xF7A  }
0x23: {  	s9 =	sor.u32 $0xD0000000, s2;
	s6 =	simm.s32 $0x108;
	_ =	swait.ge @!p0 [sflag:s8], $0x0  }
0x24: {  	s3 =	sadd.s32 $0x88, s3;
	s6 =	simm.s32 @!p1 $0x1082;
	[sflag:s4] =	ssyncset.s32 $0xFFFFF086  }
0x25: {  	[simem:s6], [sflag:s4] =	dma.local [hbm:s3], $0xF7A  }
0x26: {  	[smem:$0x3F93] =	sst s1;
	(tag) =	ssettag s2;
	_ =	strace s9  }
0x27: {  	s1 =	sld [smem:$0x3FA3]  }
0x28: {  	s2 =	sld [smem:$0x3FA4]  }
0x29: {  	s4 =	sld [smem:$0x3FA6]  }
0x2a: {  	p0 =	seq.s32 s5, $0x0;
	s5 =	sld [smem:$0x3FA7]  }
0x2b: {  	s6 =	sld [smem:$0x3FA8]  }
0x2c: {  	s7 =	sld [smem:$0x3FA9]  }
0x2d: {  	s3 =	simm.s32 $0x108;
	s8 =	sld [smem:$0x3FAA]  }
0x2e: {  	s3 =	simm.s32 @!p0 $0x1082;
	s9 =	sld [smem:$0x3FAB]  }
0x2f: {  	lr =	sadd.s32 s0, s3;
	s0 =	sld [smem:$0x3FA2]  }
0x30: {  	s3 =	sld [smem:$0x3FA5]  }
0x31: {  	[smem:$0x3FAE] =	sst s10  }
0x32: {  	s10 =	sld [smem:$0x3FAC];
	_ =	sdelay $0x3  }
0x33: {  	p0 =	seq.s32 s10, $0x1;
	s10 =	sld [smem:$0x3FAE];
	_ =	sdelay $0x3  }
0x34: {  	[smem:$0x3FAE] =	sst s10  }
0x35: {  	s10 =	sld [smem:$0x3FAD];
	_ =	sdelay $0x3  }
0x36: {  	p1 =	seq.s32 s10, $0x1;
	s10 =	sld [smem:$0x3FAE];
	_ =	sdelay $0x3  }
0x37: {  	[smem:$0x3FAE] =	sst s10  }
0x38: {  	s10 =	sld [smem:$0x3FAF]  }
0x39: {  	_ = 	snop;
	(pc) =	sbr.ind lr, $3  }
0x3a: {  	_ = 	snop  }
0x3b: {  	_ = 	snop  }
0x3c: {  	p2 =	seq.s32 s10, $0x1;
	s10 =	sld [smem:$0x3FAE]  }
0x3d: {  	_ =	shalt  }
0x3e: {  	_ =	shalt  }
0x3f: {  	_ =	shalt  }
0x40: {  	_ =	shalt  }
0x41: {  	_ =	shalt  }
0x42: {  	_ =	shalt  }
0x43: {  	_ =	shalt  }
0x44: {  	_ =	shalt  }
0x45: {  	_ =	shalt  }
0x46: {  	_ =	shalt  }
0x47: {  	_ =	shalt  }
0x48: {  	_ =	shalt  }
0x49: {  	_ =	shalt  }
0x4a: {  	_ =	shalt  }
0x4b: {  	_ =	shalt  }
0x4c: {  	_ =	shalt  }
0x4d: {  	_ =	shalt  }
0x4e: {  	_ =	shalt  }
0x4f: {  	_ =	shalt  }
0x50: {  	_ =	shalt  }
0x51: {  	_ =	shalt  }
0x52: {  	_ =	shalt  }
0x53: {  	_ =	shalt  }
0x54: {  	_ =	shalt  }
0x55: {  	_ =	shalt  }
0x56: {  	_ =	shalt  }
0x57: {  	_ =	shalt  }
0x58: {  	_ =	shalt  }
0x59: {  	_ =	shalt  }
0x5a: {  	_ =	shalt  }
0x5b: {  	_ =	shalt  }
0x5c: {  	_ =	shalt  }
0x5d: {  	_ =	shalt  }
0x5e: {  	_ =	shalt  }
0x5f: {  	_ =	shalt  }
0x60: {  	_ =	shalt  }
0x61: {  	_ =	shalt  }
0x62: {  	_ =	shalt  }
0x63: {  	_ =	shalt  }
0x64: {  	_ =	shalt  }
0x65: {  	_ =	shalt  }
0x66: {  	_ =	shalt  }
0x67: {  	_ =	shalt  }
0x68: {  	_ =	shalt  }
0x69: {  	_ =	shalt  }
0x6a: {  	_ =	shalt  }
0x6b: {  	_ =	shalt  }
0x6c: {  	_ =	shalt  }
0x6d: {  	_ =	shalt  }
0x6e: {  	_ =	shalt  }
0x6f: {  	_ =	shalt  }
0x70: {  	_ =	shalt  }
0x71: {  	_ =	shalt  }
0x72: {  	_ =	shalt  }
0x73: {  	_ =	shalt  }
0x74: {  	_ =	shalt  }
0x75: {  	_ =	shalt  }
0x76: {  	_ =	shalt  }
0x77: {  	_ =	shalt  }
0x78: {  	_ =	shalt  }
0x79: {  	_ =	shalt  }
0x7a: {  	_ =	shalt  }
0x7b: {  	_ =	shalt  }
0x7c: {  	_ =	shalt  }
0x7d: {  	_ =	shalt  }
0x7e: {  	_ =	shalt  }
0x7f: {  	_ =	shalt  }
0x80: {  	_ =	shalt  }
0x81: {  	_ =	shalt  }
0x82: {  	_ =	shalt  }
0x83: {  	_ =	shalt  }
0x84: {  	_ =	shalt  }
0x85: {  	_ =	shalt  }
0x86: {  	_ =	shalt  }
0x87: {  	_ =	shalt  }
.Lfunc_end0:
.L_simem_size_0:
called_computation.1_lowered:
.L_overlay_start_0:
0x88: {  	s2 =	sld [smem:$0x3FD9]  }
0x89: {  	s3 =	sld [smem:$0x3FFE];
	_ =	sdelay $0x1  }
0x8a: {  	s1 =	srdreg.scid  }
0x8b: {  	s0 =	sand.u32 $0x1, s1  }
0x8c: {  	s14 =	sshll.u32 s0, $0xA;
	s2 =	sadd.s32 s3, s2  }
0x8d: {  	s2 =	sadd.s32 s2, s14  }
0x8e: {  	[smem:$0x3FBA] =	sst s2  }
0x8f: {  	_ = 	snop  }
0x90: {  	s2 =	sld [smem:$0x3FD0];
	_ =	sdelay $0x2  }
0x91: {  	s15 =	simm.s32 $0xA;
	s4 =	simm.s32 $0x10  }
0x92: {  	[smem:s4], [sflag:s15] =	dma.local [hbm:s2], $0x1  }
0x93: {  	_ =	swait.eq [sflag:s15], $0x1  }
0x94: {  	[sflag:s15] =	ssyncset.done $0x0  }
0x95: {  	[sflag:s15] =	ssyncadd.s32 $0xFFFFFFFF  }
0x96: {  	s16 =	sld [smem:$0x12];
	(tm) =	ssettm $0x1  }
0x97: {  	s17 =	sld [smem:$0x3FFB];
	_ =	sdelay $0x3  }
0x98: {  	_ =	strace s17  }
0x99: {  	s3 =	sld [smem:$0x3FFC];
	_ =	sdelay $0x3  }
0x9a: {  	_ =	strace s3  }
0x9b: {  	s3 =	sld [smem:$0x3FFD];
	_ =	sdelay $0x3  }
0x9c: {  	_ =	strace s3  }
0x9d: {  	_ =	strace $0x8FFFFFFF  }
0x9e: {  	s18 =	sld [smem:$0x3FDB];
	_ =	sdelay $0x1  }
0x9f: {  	s19 =	simm.s32 $_scs_section_size  }
0xa0: {  	s5 =	simm.s32 $_size__tile_overlayer_lowered;
	s6 =	simm.s32 $_tile_overlayer_lowered  }
0xa1: {  	s22 =	simm.s32 $0x1BFF;
	s21 =	sshll.u32 s6, $0x1;
	s3 =	sadd.s32 s19, s18  }
0xa2: {  	s7 =	simm.s32 $0x0;
	s20 =	sshll.u32 s5, $0x1;
	s5 =	sadd.s32 s21, s3  }
0xa3: {  	[timem:s7], [sflag:s22] =	dma.local [hbm:s5], s20  }
0xa4: {  	_ =	swait.ge [sflag:s22], s20  }
0xa5: {  	s4 =	ssub.s32 $0x0, s20;
	[sflag:s22] =	ssyncset.done $0x0  }
0xa6: {  	[sflag:s22] =	ssyncadd.s32 s4;
	_ =	sdelay $0x1  }
0xa7: {  	s23 =	simm.s32 $0x1B8B  }
0xa8: {  	_ =	swait.ge [sflag:s23], $0x1  }
0xa9: {  	[sflag:s23] =	ssyncset.done $0x0  }
0xaa: {  	s25 =	simm.s32 $0x1B8E;
	s24 =	sld [smem:$0x3FFE];
	[sflag:s23] =	ssyncadd.s32 $0xFFFFFFFF  }
0xab: {  	s26 =	simm.s32 $execute0_lowered;
	[smem:$0x3FD2] =	sst s25  }
0xac: {  	s5 =	sshll.u32 s26, $0x1;
	_ =	strace $0x80000049;
	[dreg:$0x1] =	wrdreg $0xFFFFFFFF  }
0xad: {  	s28 =	simm.s32 $_size_execute0_lowered;
	s3 =	sadd.s32 s3, s5;
	[dreg:$0x0] =	wrdreg $0x0  }
0xae: {  	s5 =	sshll.u32 s28, $0x1;
	[dreg:$0x2] =	wrdreg s3  }
0xaf: {  	[dreg:$0x3] =	wrdreg s5  }
0xb0: {  	[dreg:$0x4] =	wrdreg $0xC0  }
0xb1: {  	_ =	task [dreg:s7], $0x5FFFF  }
0xb2: {  	[dreg:$0x1] =	wrdreg $0xFFFFFFFF  }
0xb3: {  	[dreg:$0x0] =	wrdreg $0x60  }
0xb4: {  	[dreg:$0x2] =	wrdreg s16  }
0xb5: {  	[dreg:$0x3] =	wrdreg s24  }
0xb6: {  	[dreg:$0x4] =	wrdreg $0x0  }
0xb7: {  	[dreg:$0x5] =	wrdreg $0x9  }
0xb8: {  	_ =	task.clear_ibuf [dreg:s7], $0x6FFFF;
	_ =	strace $0x90000049  }
0xb9: {  	s29 =	simm.s32 $0x9;
	_ =	strace $0x8000004B  }
0xba: {  	_ =	swait.ge [sflag:s29], $0x1  }
0xbb: {  	[sflag:s29] =	ssyncadd.s32 $0xFFFFFFFF  }
0xbc: {  	_ =	strace $0x9000004B  }
0xbd: {  	_ =	sfence  }
0xbe: {  	s30 =	sld [smem:$0x0];
	_ =	sdelay $0x2  }
0xbf: {  	s31 =	sshll.u32 s1, $0xD;
	s1 =	sshrl.u32 s1, $0x2  }
0xc0: {  	s3 =	sand.u32 $0x4000, s31;
	s1 =	sadd.s32 s1, s30  }
0xc1: {  	s0 =	sor.u32 s3, s0;
	s1 =	sshll.u32 s1, $0x11  }
0xc2: {  	s0 =	sor.u32 s1, s0  }
0xc3: {  	s0 =	sadd.s32 $0x8F2B, s0  }
0xc4: {  	[sflag:s0] =	ssyncadd.remote.s32 $0x1  }
0xc5: {  	_ =	sfence.sel $0xFFFF  }
0xc6: {  	[dreg:$0x0] =	wrdreg $0xFFFFFFFF;
	(pc) =	sbr.abs _section_cstart, $3  }
0xc7: {  	[dreg:$0x1] =	wrdreg $0xFFFFFFFF  }
0xc8: {  	_ =	task.clear_ibuf [dreg:s7], $0x2FFFF;
	_ =	strace $0x9FFFFFFF  }
0xc9: {  	(tm) =	ssettm $0x7FFFFFFF  }
tec
execute0_lowered:
.L_overlay_start_1:
0x0: {  	(tag) =	ssettag $0x1  }
0x1: {  	s0 =	rddreg [dreg:$0x0]  }
0x2: {  	s1 =	rddreg [dreg:$0x1]  }
0x3: {  	s3 =	srdreg.scid;
	s15 =	stileid.u32  }
0x4: {  	s2 =	rddreg [dreg:$0x2];
	s30 =	simm.s32 $0x18080;
	s31 =	simm.s32 $0x1  }
0x5: {  	s6 =	sand.u32 $0x1, s3;
	s4 =	smul.u32 $0x280, s15;
	s3 =	simm.s32 $0x0  }
0x6: {  	s7 =	smul.u32 $0x50000, s15;
	s13 =	sshll.u32 s15, $0x1;
	s24 =	sshll.u32 s15, $0xC  }
0x7: {  	s26 =	sshll.u32 s15, $0x8;
	s5 =	smul.u32 $0x2800, s6;
	[smem:$0x7FF] =	sst s3  }
0x8: {  	s8 =	ssub.s32 $0x2, s6;
	s13 =	sor.u32 s13, s6;
	s0 =	sadd.s32 s24, s0  }
0x9: {  	s25 =	sshll.u32 s6, $0xB;
	s6 =	sshll.u32 s6, $0x7;
	_ =	strace $0x8000004A  }
0xa: {  	s18 =	sshrl.u32 s8, $0x1;
	s7 =	sshrl.u32 s7, $0x2;
	s5 =	sadd.s32 s4, s5  }
0xb: {  	s4 =	sadd.s32 $0xD200, s1;
	s8 =	ssub.s32 s8, s18;
	s5 =	sshll.u32 s5, $0x4  }
0xc: {  	s19 =	smax.u32 s8, $0x1;
	s1 =	sadd.s32 s5, s1;
	s5 =	sadd.s32 s7, s2  }
0xd: {  	s13 =	ssub.s32 $0x9E3, s13;
	[dreg:$0x4] =	wrdreg s19;
	s7 =	sadd.s32 $0x2000, s5  }
0xe: {  	s8 =	sadd.s32 $0x4000, s5;
	s9 =	sadd.s32 $0x6000, s5;
	s10 =	sadd.s32 $0x8000, s5  }
0xf: {  	s11 =	sadd.s32 $0xA000, s5;
	s12 =	sadd.s32 $0xC000, s5;
	s14 =	sadd.s32 $0x17000, s1  }
0x10: {  	s20 =	sadd.s32 $0x17400, s1;
	s21 =	sadd.s32 $0x17800, s1;
	[dreg:$0x5] =	wrdreg s14  }
0x11: {  	s22 =	sadd.s32 $0x17C00, s1;
	s23 =	sadd.s32 $0x18000, s1;
	[dreg:$0x6] =	wrdreg s20  }
0x12: {  	s18 =	sadd.s32 $0x18400, s1;
	s19 =	sadd.s32 $0x18800, s1;
	[dreg:$0x7] =	wrdreg s21  }
0x13: {  	s24 =	sadd.s32 $0x19400, s1;
	s28 =	sadd.s32 $0x10000, s5;
	[dreg:$0x8] =	wrdreg s22  }
0x14: {  	s29 =	sadd.s32 $0x12000, s5;
	[dreg:$0x9] =	wrdreg s23;
	s14 =	sadd.s32 s25, s0  }
0x15: {  	s21 =	sadd.s32 $0x18C00, s1;
	s22 =	sor.u32 s6, s26;
	s23 =	sadd.s32 $0x19000, s1  }
0x16: {  	s25 =	sshrl.u32 s13, $0x5;
	s26 =	sadd.s32 $0xE000, s5;
	s1 =	simm.s32 $0x14000  }
0x17: {  	v0 =	vimm.f32 $0.0e+00;
	s0 =	simm.s32 $0x14080;
	s6 =	simm.s32 $0x80;
	s13 =	simm.s32 $0x0  }
.LBB2_1:
0x18: {  	s15 =	sand.u32 $0x7E00, s3  }
0x19: {  	s16 =	sand.u32 $0x70, s3;
	s17 =	sshrl.u32 s15, $0x2  }
0x1a: {  	s15 =	simm.s32 $0x40;
	s17 =	sor.u32 s16, s17;
	s16 =	simm.s32 $0x0  }
.LBB2_2:
0x1b: {  	p0 =	sne.s32 s15, $0x7FC0  }
0x1c: {  	[tilespmem:s17+$0x18080] =	vst v0;
	s16 =	sadd.s32 $0x10, s16;
	s17 =	smov.u32 s15;
	s15 =	sadd.s32 $0x40, s15  }
.Ltmp0:
0x1d: {  	(pc) =	sbr.rel @p0 .LBB2_2-.Ltmp0, $4  }
0x1e: {  	_ = 	snop  }
0x1f: {  	s17 =	sand.u32 $0x7E00, s17  }
0x20: {  	s20 =	sand.u32 $0x70, s16;
	s17 =	sshrl.u32 s17, $0x2  }
0x21: {  	s17 =	sor.u32 s20, s17  }
0x22: {  	[tilespmem:s17+$0x18080] =	vst v0  }
0x23: {  	[spmem:s5] =	stream.linear.scatter [tilespmem:s30], [sflag:$0x1], $0x2000, $0x38;
	[tilespmem:$0x1A080] =	vst v63  }
0x24: {  	_ =	swait.ge [sflag:s31], $0x2000  }
0x25: {  	[sflag:s31] =	ssyncset.done $0x0  }
0x26: {  	[sflag:s31] =	ssyncadd.s32 $0xFFFFE000  }
0x27: {  	[spmem:s7] =	stream.linear.scatter [tilespmem:s30], [sflag:$0x1], $0x2000, $0x38;
	[tilespmem:$0x1A080] =	vst v63  }
0x28: {  	_ =	swait.ge [sflag:s31], $0x2000  }
0x29: {  	[sflag:s31] =	ssyncset.done $0x0  }
0x2a: {  	[sflag:s31] =	ssyncadd.s32 $0xFFFFE000  }
0x2b: {  	[spmem:s8] =	stream.linear.scatter [tilespmem:s30], [sflag:$0x1], $0x2000, $0x38;
	[tilespmem:$0x1A080] =	vst v63  }
0x2c: {  	_ =	swait.ge [sflag:s31], $0x2000  }
0x2d: {  	[sflag:s31] =	ssyncset.done $0x0  }
0x2e: {  	[sflag:s31] =	ssyncadd.s32 $0xFFFFE000  }
0x2f: {  	[spmem:s9] =	stream.linear.scatter [tilespmem:s30], [sflag:$0x1], $0x2000, $0x38;
	[tilespmem:$0x1A080] =	vst v63  }
0x30: {  	_ =	swait.ge [sflag:s31], $0x2000  }
0x31: {  	[sflag:s31] =	ssyncset.done $0x0  }
0x32: {  	[sflag:s31] =	ssyncadd.s32 $0xFFFFE000  }
0x33: {  	[spmem:s10] =	stream.linear.scatter [tilespmem:s30], [sflag:$0x1], $0x2000, $0x38;
	[tilespmem:$0x1A080] =	vst v63  }
0x34: {  	_ =	swait.ge [sflag:s31], $0x2000  }
0x35: {  	[sflag:s31] =	ssyncset.done $0x0  }
0x36: {  	[sflag:s31] =	ssyncadd.s32 $0xFFFFE000  }
0x37: {  	[spmem:s11] =	stream.linear.scatter [tilespmem:s30], [sflag:$0x1], $0x2000, $0x38;
	[tilespmem:$0x1A080] =	vst v63  }
0x38: {  	_ =	swait.ge [sflag:s31], $0x2000  }
0x39: {  	[sflag:s31] =	ssyncset.done $0x0  }
0x3a: {  	[sflag:s31] =	ssyncadd.s32 $0xFFFFE000  }
0x3b: {  	[spmem:s12] =	stream.linear.scatter [tilespmem:s30], [sflag:$0x1], $0x2000, $0x38;
	[tilespmem:$0x1A080] =	vst v63  }
0x3c: {  	_ =	swait.ge [sflag:s31], $0x2000  }
0x3d: {  	[sflag:s31] =	ssyncset.done $0x0  }
0x3e: {  	[sflag:s31] =	ssyncadd.s32 $0xFFFFE000  }
0x3f: {  	[spmem:s26] =	stream.linear.scatter [tilespmem:s30], [sflag:$0x1], $0x2000, $0x38;
	[tilespmem:$0x1A080] =	vst v63  }
0x40: {  	_ =	swait.ge [sflag:s31], $0x2000  }
0x41: {  	[sflag:s31] =	ssyncset.done $0x0  }
0x42: {  	[sflag:s31] =	ssyncadd.s32 $0xFFFFE000  }
0x43: {  	[spmem:s28] =	stream.linear.scatter [tilespmem:s30], [sflag:$0x1], $0x2000, $0x38;
	[tilespmem:$0x1A080] =	vst v63  }
0x44: {  	_ =	swait.ge [sflag:s31], $0x2000  }
0x45: {  	[sflag:s31] =	ssyncset.done $0x0  }
0x46: {  	p1 =	sne.s32 s25, $0x1;
	[sflag:s31] =	ssyncadd.s32 $0xFFFFE000  }
0x47: {  	[spmem:s29] =	stream.linear.scatter [tilespmem:s30], [sflag:$0x1], $0x2000, $0x38;
	[tilespmem:$0x1A080] =	vst v63  }
.Ltmp1:
0x48: {  	_ =	swait.ge [sflag:s31], $0x2000;
	(pc) =	sbr.rel @!p1 .LBB2_4-.Ltmp1, $4  }
0x49: {  	[sflag:s31] =	ssyncset.done $0x0  }
0x4a: {  	[sflag:s31] =	ssyncadd.s32 $0xFFFFE000  }
0x4b: {  	[bflag:$0x0] =	sbarrier.arrive $0xFFFF  }
0x4c: {  	s15 =	sadd.s32 $0xFFFFFFFF, s25;
	s17 =	sshrl.u32 s22, $0x3;
	p0 =	por $0x0, $0x0  }
0x4d: {  	s16 =	sadd.s32 s4, s17  }
0x4e: {  	[tilespmem:s1], [sflag:$0x1] =	stream.linear.gather [hbm4b:s16+s3], $0x80, $0x38;
	[tilespmem:$0x1A080] =	vst v63  }
0x4f: {  	_ =	swait.ge [sflag:s31], $0x80  }
0x50: {  	[sflag:s31] =	ssyncset.done $0x0  }
0x51: {  	[sflag:s31] =	ssyncadd.s32 $0xFFFFFF80  }
0x52: {  	[tilespmem:s0], [sflag:$0x1] =	stream.linear.gather [hbm4b:s14+s3], $0x4000, $0x38;
	[tilespmem:$0x1A080] =	vst v63  }
0x53: {  	p1 =	sne.s32 s15, $0x1;
	_ =	swait.ge [sflag:s31], $0x4000  }
.Ltmp2:
0x54: {  	[sflag:s31] =	ssyncset.done $0x0;
	(pc) =	sbr.rel @!p1 .LBB2_6-.Ltmp2, $4  }
0x55: {  	s15 =	sadd.s32 $0xFFFFFFFF, s15;
	[sflag:s31] =	ssyncadd.s32 $0xFFFFC000  }
0x56: {  	[spmem:s2] =	stream.indirect.scatter.add.f32 [tilespmem:s0], [sflag:$0x1], $0x80, s1, s6, $0xb8;
	[tilespmem:$0x1A080] =	vst v63  }
0x57: {  	p0 =	por $0x1, $0x1;
	s16 =	sadd.s32 $0x1000, s22;
	_ =	swait.ge [sflag:s31], $0x4000  }
0x58: {  	s20 =	smov.u32 s14;
	s17 =	sshrl.u32 s16, $0x3;
	[sflag:s31] =	ssyncset.done $0x0  }
.LBB2_7:
0x59: {  	s17 =	sadd.s32 s4, s17;
	[sflag:s31] =	ssyncadd.s32 $0xFFFFC000;
	s20 =	sadd.s32 $0x10000, s20  }
0x5a: {  	[tilespmem:s1], [sflag:$0x1] =	stream.linear.gather [hbm4b:s17+s3], $0x80, $0x38;
	[tilespmem:$0x1A080] =	vst v63  }
0x5b: {  	p1 =	sne.s32 s15, $0x1;
	s15 =	sadd.s32 $0xFFFFFFFF, s15;
	_ =	swait.ge [sflag:s31], $0x80  }
0x5c: {  	[sflag:s31] =	ssyncset.done $0x0  }
0x5d: {  	[sflag:s31] =	ssyncadd.s32 $0xFFFFFF80  }
0x5e: {  	[tilespmem:s0], [sflag:$0x1] =	stream.linear.gather [hbm4b:s20+s3], $0x4000, $0x38;
	[tilespmem:$0x1A080] =	vst v63  }
0x5f: {  	_ =	swait.ge [sflag:s31], $0x4000  }
.Ltmp3:
0x60: {  	[sflag:s31] =	ssyncset.done $0x0;
	(pc) =	sbr.rel @p1 .LBB2_7-.Ltmp3, $4  }
0x61: {  	[sflag:s31] =	ssyncadd.s32 $0xFFFFC000  }
0x62: {  	[spmem:s2] =	stream.indirect.scatter.add.f32 [tilespmem:s0], [sflag:$0x1], $0x80, s1, s6, $0xb8;
	[tilespmem:$0x1A080] =	vst v63  }
0x63: {  	s16 =	sadd.s32 $0x1000, s16;
	_ =	swait.ge [sflag:s31], $0x4000  }
0x64: {  	s17 =	sshrl.u32 s16, $0x3;
	[sflag:s31] =	ssyncset.done $0x0  }
.LBB2_8:
0x65: {  	s15 =	sadd.s32 s4, s17;
	[sflag:s31] =	ssyncadd.s32 @p0 $0xFFFFC000  }
0x66: {  	[tilespmem:s1], [sflag:$0x1] =	stream.linear.gather [hbm4b:s15+s3], $0x80, $0x38;
	[tilespmem:$0x1A080] =	vst v63  }
0x67: {  	_ =	swait.ge [sflag:s31], $0x80  }
0x68: {  	s16 =	smov.u32 s14;
	s15 =	sadd.s32 @p0 $0x10000, s20;
	[sflag:s31] =	ssyncset.done $0x0  }
0x69: {  	s16 =	smov.u32 @p0 s15;
	[sflag:s31] =	ssyncadd.s32 $0xFFFFFF80  }
0x6a: {  	[tilespmem:s0], [sflag:$0x1] =	stream.linear.gather [hbm4b:s16+s3], $0x4000, $0x38;
	[tilespmem:$0x1A080] =	vst v63  }
0x6b: {  	_ =	swait.ge [sflag:s31], $0x4000  }
0x6c: {  	[sflag:s31] =	ssyncset.done $0x0  }
0x6d: {  	[sflag:s31] =	ssyncadd.s32 $0xFFFFC000  }
0x6e: {  	[spmem:s2] =	stream.indirect.scatter.add.f32 [tilespmem:s0], [sflag:$0x1], $0x80, s1, s6, $0xb8;
	[tilespmem:$0x1A080] =	vst v63  }
0x6f: {  	_ =	swait.ge [sflag:s31], $0x4000  }
0x70: {  	[sflag:s31] =	ssyncset.done $0x0  }
0x71: {  	[sflag:s31] =	ssyncadd.s32 $0xFFFFC000  }
0x72: {  	[bflag:$0x0] =	sbarrier.arrive $0xFFFF  }
0x73: {  	[tilespmem:s30], [sflag:$0x1] =	stream.linear.gather [spmem:s5], $0x2000, $0x38;
	[tilespmem:$0x1A080] =	vst v63  }
0x74: {  	_ =	swait.ge [sflag:s31], $0x2000  }
0x75: {  	[sflag:s31] =	ssyncset.done $0x0  }
0x76: {  	s16 =	rddreg [dreg:$0x5];
	[sflag:s31] =	ssyncadd.s32 $0xFFFFE000  }
0x77: {  	[hbm4b:s16+s3] =	stream.linear.scatter [tilespmem:s30], [sflag:$0x1], $0x2000, $0x38;
	[tilespmem:$0x1A080] =	vst v63  }
0x78: {  	_ =	swait.ge [sflag:s31], $0x2000  }
0x79: {  	[sflag:s31] =	ssyncset.done $0x0  }
0x7a: {  	[sflag:s31] =	ssyncadd.s32 $0xFFFFE000  }
0x7b: {  	[tilespmem:s30], [sflag:$0x1] =	stream.linear.gather [spmem:s7], $0x2000, $0x38;
	[tilespmem:$0x1A080] =	vst v63  }
0x7c: {  	_ =	swait.ge [sflag:s31], $0x2000  }
0x7d: {  	[sflag:s31] =	ssyncset.done $0x0  }
0x7e: {  	s17 =	rddreg [dreg:$0x6];
	[sflag:s31] =	ssyncadd.s32 $0xFFFFE000  }
0x7f: {  	[hbm4b:s17+s3] =	stream.linear.scatter [tilespmem:s30], [sflag:$0x1], $0x2000, $0x38;
	[tilespmem:$0x1A080] =	vst v63  }
0x80: {  	_ =	swait.ge [sflag:s31], $0x2000  }
0x81: {  	[sflag:s31] =	ssyncset.done $0x0  }
0x82: {  	[sflag:s31] =	ssyncadd.s32 $0xFFFFE000  }
0x83: {  	[tilespmem:s30], [sflag:$0x1] =	stream.linear.gather [spmem:s8], $0x2000, $0x38;
	[tilespmem:$0x1A080] =	vst v63  }
0x84: {  	_ =	swait.ge [sflag:s31], $0x2000  }
0x85: {  	[sflag:s31] =	ssyncset.done $0x0  }
0x86: {  	s20 =	rddreg [dreg:$0x7];
	[sflag:s31] =	ssyncadd.s32 $0xFFFFE000  }
0x87: {  	[hbm4b:s20+s3] =	stream.linear.scatter [tilespmem:s30], [sflag:$0x1], $0x2000, $0x38;
	[tilespmem:$0x1A080] =	vst v63  }
0x88: {  	_ =	swait.ge [sflag:s31], $0x2000  }
0x89: {  	[sflag:s31] =	ssyncset.done $0x0  }
0x8a: {  	[sflag:s31] =	ssyncadd.s32 $0xFFFFE000  }
0x8b: {  	[tilespmem:s30], [sflag:$0x1] =	stream.linear.gather [spmem:s9], $0x2000, $0x38;
	[tilespmem:$0x1A080] =	vst v63  }
0x8c: {  	_ =	swait.ge [sflag:s31], $0x2000  }
0x8d: {  	[sflag:s31] =	ssyncset.done $0x0  }
0x8e: {  	s16 =	rddreg [dreg:$0x8];
	[sflag:s31] =	ssyncadd.s32 $0xFFFFE000  }
0x8f: {  	[hbm4b:s16+s3] =	stream.linear.scatter [tilespmem:s30], [sflag:$0x1], $0x2000, $0x38;
	[tilespmem:$0x1A080] =	vst v63  }
0x90: {  	_ =	swait.ge [sflag:s31], $0x2000  }
0x91: {  	[sflag:s31] =	ssyncset.done $0x0  }
0x92: {  	[sflag:s31] =	ssyncadd.s32 $0xFFFFE000  }
0x93: {  	[tilespmem:s30], [sflag:$0x1] =	stream.linear.gather [spmem:s10], $0x2000, $0x38;
	[tilespmem:$0x1A080] =	vst v63  }
0x94: {  	_ =	swait.ge [sflag:s31], $0x2000  }
0x95: {  	[sflag:s31] =	ssyncset.done $0x0  }
0x96: {  	s17 =	rddreg [dreg:$0x9];
	[sflag:s31] =	ssyncadd.s32 $0xFFFFE000  }
0x97: {  	[hbm4b:s17+s3] =	stream.linear.scatter [tilespmem:s30], [sflag:$0x1], $0x2000, $0x38;
	[tilespmem:$0x1A080] =	vst v63  }
0x98: {  	_ =	swait.ge [sflag:s31], $0x2000  }
0x99: {  	[sflag:s31] =	ssyncset.done $0x0  }
0x9a: {  	[sflag:s31] =	ssyncadd.s32 $0xFFFFE000  }
0x9b: {  	[tilespmem:s30], [sflag:$0x1] =	stream.linear.gather [spmem:s11], $0x2000, $0x38;
	[tilespmem:$0x1A080] =	vst v63  }
0x9c: {  	_ =	swait.ge [sflag:s31], $0x2000  }
0x9d: {  	[sflag:s31] =	ssyncset.done $0x0  }
0x9e: {  	[sflag:s31] =	ssyncadd.s32 $0xFFFFE000  }
0x9f: {  	[hbm4b:s18+s3] =	stream.linear.scatter [tilespmem:s30], [sflag:$0x1], $0x2000, $0x38;
	[tilespmem:$0x1A080] =	vst v63  }
0xa0: {  	_ =	swait.ge [sflag:s31], $0x2000  }
0xa1: {  	[sflag:s31] =	ssyncset.done $0x0  }
0xa2: {  	[sflag:s31] =	ssyncadd.s32 $0xFFFFE000  }
0xa3: {  	[tilespmem:s30], [sflag:$0x1] =	stream.linear.gather [spmem:s12], $0x2000, $0x38;
	[tilespmem:$0x1A080] =	vst v63  }
0xa4: {  	_ =	swait.ge [sflag:s31], $0x2000  }
0xa5: {  	[sflag:s31] =	ssyncset.done $0x0  }
0xa6: {  	[sflag:s31] =	ssyncadd.s32 $0xFFFFE000  }
0xa7: {  	[hbm4b:s19+s3] =	stream.linear.scatter [tilespmem:s30], [sflag:$0x1], $0x2000, $0x38;
	[tilespmem:$0x1A080] =	vst v63  }
0xa8: {  	_ =	swait.ge [sflag:s31], $0x2000  }
0xa9: {  	[sflag:s31] =	ssyncset.done $0x0  }
0xaa: {  	[sflag:s31] =	ssyncadd.s32 $0xFFFFE000  }
0xab: {  	[tilespmem:s30], [sflag:$0x1] =	stream.linear.gather [spmem:s26], $0x2000, $0x38;
	[tilespmem:$0x1A080] =	vst v63  }
0xac: {  	_ =	swait.ge [sflag:s31], $0x2000  }
0xad: {  	[sflag:s31] =	ssyncset.done $0x0  }
0xae: {  	[sflag:s31] =	ssyncadd.s32 $0xFFFFE000  }
0xaf: {  	[hbm4b:s21+s3] =	stream.linear.scatter [tilespmem:s30], [sflag:$0x1], $0x2000, $0x38;
	[tilespmem:$0x1A080] =	vst v63  }
0xb0: {  	_ =	swait.ge [sflag:s31], $0x2000  }
0xb1: {  	[sflag:s31] =	ssyncset.done $0x0  }
0xb2: {  	[sflag:s31] =	ssyncadd.s32 $0xFFFFE000  }
0xb3: {  	[tilespmem:s30], [sflag:$0x1] =	stream.linear.gather [spmem:s28], $0x2000, $0x38;
	[tilespmem:$0x1A080] =	vst v63  }
0xb4: {  	_ =	swait.ge [sflag:s31], $0x2000  }
0xb5: {  	[sflag:s31] =	ssyncset.done $0x0  }
0xb6: {  	[sflag:s31] =	ssyncadd.s32 $0xFFFFE000  }
0xb7: {  	[hbm4b:s23+s3] =	stream.linear.scatter [tilespmem:s30], [sflag:$0x1], $0x2000, $0x38;
	[tilespmem:$0x1A080] =	vst v63  }
0xb8: {  	_ =	swait.ge [sflag:s31], $0x2000  }
0xb9: {  	[sflag:s31] =	ssyncset.done $0x0  }
0xba: {  	[sflag:s31] =	ssyncadd.s32 $0xFFFFE000  }
0xbb: {  	[tilespmem:s30], [sflag:$0x1] =	stream.linear.gather [spmem:s29], $0x2000, $0x38;
	[tilespmem:$0x1A080] =	vst v63  }
0xbc: {  	_ =	swait.ge [sflag:s31], $0x2000  }
0xbd: {  	[sflag:s31] =	ssyncset.done $0x0  }
0xbe: {  	[sflag:s31] =	ssyncadd.s32 $0xFFFFE000  }
0xbf: {  	[hbm4b:s24+s3] =	stream.linear.scatter [tilespmem:s30], [sflag:$0x1], $0x2000, $0x38;
	[tilespmem:$0x1A080] =	vst v63  }
0xc0: {  	_ =	swait.ge [sflag:s31], $0x2000  }
0xc1: {  	s13 =	sadd.s32 $0x1, s13;
	s20 =	rddreg [dreg:$0x4]  }
0xc2: {  	p0 =	sne.s32 s13, s20  }
.Ltmp4:
0xc3: {  	_ = 	snop;
	(pc) =	sbr.rel @p0 .LBB2_1-.Ltmp4, $4  }
.Ltmp5:
0xc4: {  	_ = 	snop;
	(pc) =	sbr.rel @!p0 .LBB2_9-.Ltmp5, $4  }
0xc5: {  	_ = 	snop  }
0xc6: {  	[sflag:s31] =	ssyncset.done $0x0  }
0xc7: {  	[sflag:s31] =	ssyncadd.s32 $0xFFFFE000  }
0xc8: {  	_ = 	snop  }
.LBB2_4:
.Ltmp6:
0xc9: {  	(pc) =	sbr.rel .LBB2_8-.Ltmp6, $2  }
0xca: {  	_ =	sdelay $0x2  }
0xcb: {  	s20 =	smov.u32 s14  }
.LBB2_6:
.Ltmp7:
0xcc: {  	(pc) =	sbr.rel .LBB2_8-.Ltmp7, $2  }
0xcd: {  	_ =	sdelay $0x2  }
0xce: {  	s20 =	smov.u32 s14  }
.LBB2_9:
0xcf: {  	_ =	sfence.sel $0x180000  }
0xd0: {  	[bflag:$0x0] =	sbarrier.arrive $0xFFFF  }
0xd1: {  	_ =	strace $0x9000004A  }
0xd2: {  	s0 =	stileid.u32;
	[bflag:$0x2] =	sbarrier.arrive $0xFFFF  }
0xd3: {  	p0 =	sne.s32 s0, $0x0;
	s0 =	rddreg [dreg:$0x3]  }
0xd4: {  	s0 =	sadd.s32 @!p0 $0x100000, s0  }
0xd5: {  	[sflag:s0] =	ssyncadd.tile.s32 @!p0 $0x1;
	_ =	shalt  }
.Lfunc_end2:
_tile_overlayer_lowered:
.L_overlay_start_2:
0xd6: {  	(tag) =	ssettag $0x2  }
0xd7: {  	s0 =	rddreg [dreg:$0x0];
	s2 =	stileid.u32  }
0xd8: {  	s1 =	rddreg [dreg:$0x1];
	p0 =	sne.s32 s2, $0x0  }
0xd9: {  	s3 =	rddreg [dreg:$0x2];
	[bflag:$0x3] =	sbarrier.arrive $0xFFFF;
	s2 =	simm.s32 @!p0 $0x1C01  }
0xda: {  	[timem:s3], [sflag:s2] =	dma.local @!p0 [hbm:s0], s1  }
0xdb: {  	s0 =	simm.s32 @!p0 $0x1  }
0xdc: {  	_ =	swait.ge @!p0 [sflag:s0], s1  }
0xdd: {  	s1 =	ssub.s32 @!p0 $0x0, s1;
	[sflag:s0] =	ssyncset.done @!p0 $0x0  }
0xde: {  	[sflag:s0] =	ssyncadd.s32 @!p0 s1  }
0xdf: {  	[bflag:$0x3] =	sbarrier.arrive $0xFFFF  }
0xe0: {  	_ =	shalt  }

// kernel: kernel.7.cloned.1.call-start
scs
__scs_entry_jumppad:
0x0: {  	(pc) =	sbr.rel $0x88, $3  }
0x1: {  	(tag) =	ssettag $0x0;
	lr =	simm.s32 $0x1  }
0x2: {  	[smem:$0x3F93] =	sst lr;
	_ =	strace $0xD0000000  }
0x3: {  	_ = 	snop  }
0x4: {  	_ = 	snop  }
0x5: {  	_ = 	snop  }
0x6: {  	_ = 	snop  }
0x7: {  	_ = 	snop  }
__scs_overlays_trampoline_lowered:
0x8: {  	[smem:$0x3FA2] =	sst s0  }
0x9: {  	[smem:$0x3FA3] =	sst s1  }
0xa: {  	[smem:$0x3FA4] =	sst s2  }
0xb: {  	[smem:$0x3FA5] =	sst s3  }
0xc: {  	[smem:$0x3FA6] =	sst s4  }
0xd: {  	[smem:$0x3FA7] =	sst s5  }
0xe: {  	[smem:$0x3FA8] =	sst s6  }
0xf: {  	[smem:$0x3FA9] =	sst s7  }
0x10: {  	[smem:$0x3FAA] =	sst s8  }
0x11: {  	[smem:$0x3FAB] =	sst s9;
	s0 =	simm.s32 @!p0 $0x0  }
0x12: {  	s1 =	sld [smem:$0x3F91];
	s0 =	simm.s32 @p0 $0x1  }
0x13: {  	[smem:$0x3FAC] =	sst s0;
	s0 =	simm.s32 @!p1 $0x0  }
0x14: {  	s2 =	sld [smem:$0x3F90];
	s0 =	simm.s32 @p1 $0x1  }
0x15: {  	[smem:$0x3FAD] =	sst s0;
	s0 =	simm.s32 @!p2 $0x0  }
0x16: {  	s3 =	sld [smem:$0x3FDB];
	s0 =	simm.s32 @p2 $0x1  }
0x17: {  	s4 =	simm.s32 $0x1BF5;
	[smem:$0x3FAF] =	sst s0  }
0x18: {  	s0 =	sld [smem:$0x3F92];
	_ =	swait.ge [sflag:s4], $0x0  }
0x19: {  	s7 =	sld [smem:$0x3F93]  }
0x1a: {  	s8 =	sadd.s32 $0xFFFFE003, lr  }
0x1b: {  	s9 =	sadd.s32 $0xFFFFFEF7, lr;
	s5 =	simm.s32 $0xFFFFFFFF;
	p2 =	slt.u32 s8, $0xFFFFF086  }
0x1c: {  	p1 =	slt.u32 s9, $0xF7A;
	s5 =	simm.s32 @!p2 $0x0  }
0x1d: {  	s5 =	simm.s32 @p1 $0x1;
	p0 =	seq.s32 s7, s2  }
0x1e: {  	s7 =	smul.u32 @!p0 $0xF7A, s2;
	p2 =	seq.s32 @!p0 s5, $0x0  }
0x1f: {  	s9 =	smul.u32 $0xF7A, s1;
	s8 =	simm.s32 @!p0 $0x1BF5;
	p2 =	por !p2, p0  }
0x20: {  	[sflag:s8] =	ssyncset.s32 @!p0 $0xFFFFF086;
	s6 =	sadd.s32 @!p0 s3, s7;
	s7 =	simm.s32 @!p0 $0x108  }
0x21: {  	s3 =	sadd.s32 s3, s9;
	s6 =	sadd.s32 @!p0 $0x88, s6;
	s7 =	simm.s32 @p2 $0x1082  }
0x22: {  	[simem:s7], [sflag:s8] =	dma.local @!p0 [hbm:s6], $0xF7A  }
0x23: {  	s9 =	sor.u32 $0xD0000000, s2;
	s6 =	simm.s32 $0x108;
	_ =	swait.ge @!p0 [sflag:s8], $0x0  }
0x24: {  	s3 =	sadd.s32 $0x88, s3;
	s6 =	simm.s32 @!p1 $0x1082;
	[sflag:s4] =	ssyncset.s32 $0xFFFFF086  }
0x25: {  	[simem:s6], [sflag:s4] =	dma.local [hbm:s3], $0xF7A  }
0x26: {  	[smem:$0x3F93] =	sst s1;
	(tag) =	ssettag s2;
	_ =	strace s9  }
0x27: {  	s1 =	sld [smem:$0x3FA3]  }
0x28: {  	s2 =	sld [smem:$0x3FA4]  }
0x29: {  	s4 =	sld [smem:$0x3FA6]  }
0x2a: {  	p0 =	seq.s32 s5, $0x0;
	s5 =	sld [smem:$0x3FA7]  }
0x2b: {  	s6 =	sld [smem:$0x3FA8]  }
0x2c: {  	s7 =	sld [smem:$0x3FA9]  }
0x2d: {  	s3 =	simm.s32 $0x108;
	s8 =	sld [smem:$0x3FAA]  }
0x2e: {  	s3 =	simm.s32 @!p0 $0x1082;
	s9 =	sld [smem:$0x3FAB]  }
0x2f: {  	lr =	sadd.s32 s0, s3;
	s0 =	sld [smem:$0x3FA2]  }
0x30: {  	s3 =	sld [smem:$0x3FA5]  }
0x31: {  	[smem:$0x3FAE] =	sst s10  }
0x32: {  	s10 =	sld [smem:$0x3FAC];
	_ =	sdelay $0x3  }
0x33: {  	p0 =	seq.s32 s10, $0x1;
	s10 =	sld [smem:$0x3FAE];
	_ =	sdelay $0x3  }
0x34: {  	[smem:$0x3FAE] =	sst s10  }
0x35: {  	s10 =	sld [smem:$0x3FAD];
	_ =	sdelay $0x3  }
0x36: {  	p1 =	seq.s32 s10, $0x1;
	s10 =	sld [smem:$0x3FAE];
	_ =	sdelay $0x3  }
0x37: {  	[smem:$0x3FAE] =	sst s10  }
0x38: {  	s10 =	sld [smem:$0x3FAF]  }
0x39: {  	_ = 	snop;
	(pc) =	sbr.ind lr, $3  }
0x3a: {  	_ = 	snop  }
0x3b: {  	_ = 	snop  }
0x3c: {  	p2 =	seq.s32 s10, $0x1;
	s10 =	sld [smem:$0x3FAE]  }
0x3d: {  	_ =	shalt  }
0x3e: {  	_ =	shalt  }
0x3f: {  	_ =	shalt  }
0x40: {  	_ =	shalt  }
0x41: {  	_ =	shalt  }
0x42: {  	_ =	shalt  }
0x43: {  	_ =	shalt  }
0x44: {  	_ =	shalt  }
0x45: {  	_ =	shalt  }
0x46: {  	_ =	shalt  }
0x47: {  	_ =	shalt  }
0x48: {  	_ =	shalt  }
0x49: {  	_ =	shalt  }
0x4a: {  	_ =	shalt  }
0x4b: {  	_ =	shalt  }
0x4c: {  	_ =	shalt  }
0x4d: {  	_ =	shalt  }
0x4e: {  	_ =	shalt  }
0x4f: {  	_ =	shalt  }
0x50: {  	_ =	shalt  }
0x51: {  	_ =	shalt  }
0x52: {  	_ =	shalt  }
0x53: {  	_ =	shalt  }
0x54: {  	_ =	shalt  }
0x55: {  	_ =	shalt  }
0x56: {  	_ =	shalt  }
0x57: {  	_ =	shalt  }
0x58: {  	_ =	shalt  }
0x59: {  	_ =	shalt  }
0x5a: {  	_ =	shalt  }
0x5b: {  	_ =	shalt  }
0x5c: {  	_ =	shalt  }
0x5d: {  	_ =	shalt  }
0x5e: {  	_ =	shalt  }
0x5f: {  	_ =	shalt  }
0x60: {  	_ =	shalt  }
0x61: {  	_ =	shalt  }
0x62: {  	_ =	shalt  }
0x63: {  	_ =	shalt  }
0x64: {  	_ =	shalt  }
0x65: {  	_ =	shalt  }
0x66: {  	_ =	shalt  }
0x67: {  	_ =	shalt  }
0x68: {  	_ =	shalt  }
0x69: {  	_ =	shalt  }
0x6a: {  	_ =	shalt  }
0x6b: {  	_ =	shalt  }
0x6c: {  	_ =	shalt  }
0x6d: {  	_ =	shalt  }
0x6e: {  	_ =	shalt  }
0x6f: {  	_ =	shalt  }
0x70: {  	_ =	shalt  }
0x71: {  	_ =	shalt  }
0x72: {  	_ =	shalt  }
0x73: {  	_ =	shalt  }
0x74: {  	_ =	shalt  }
0x75: {  	_ =	shalt  }
0x76: {  	_ =	shalt  }
0x77: {  	_ =	shalt  }
0x78: {  	_ =	shalt  }
0x79: {  	_ =	shalt  }
0x7a: {  	_ =	shalt  }
0x7b: {  	_ =	shalt  }
0x7c: {  	_ =	shalt  }
0x7d: {  	_ =	shalt  }
0x7e: {  	_ =	shalt  }
0x7f: {  	_ =	shalt  }
0x80: {  	_ =	shalt  }
0x81: {  	_ =	shalt  }
0x82: {  	_ =	shalt  }
0x83: {  	_ =	shalt  }
0x84: {  	_ =	shalt  }
0x85: {  	_ =	shalt  }
0x86: {  	_ =	shalt  }
0x87: {  	_ =	shalt  }
.Lfunc_end0:
.L_simem_size_0:
called_computation_lowered:
.L_overlay_start_0:
0x88: {  	s2 =	sld [smem:$0x3FD9]  }
0x89: {  	s3 =	sld [smem:$0x3FFE];
	_ =	sdelay $0x1  }
0x8a: {  	s1 =	srdreg.scid  }
0x8b: {  	s0 =	sand.u32 $0x1, s1  }
0x8c: {  	s14 =	sshll.u32 s0, $0xA;
	s2 =	sadd.s32 s3, s2  }
0x8d: {  	s2 =	sadd.s32 s2, s14  }
0x8e: {  	[smem:$0x3FBA] =	sst s2  }
0x8f: {  	_ = 	snop  }
0x90: {  	s2 =	sld [smem:$0x3FD0];
	_ =	sdelay $0x2  }
0x91: {  	s15 =	simm.s32 $0xA;
	s4 =	simm.s32 $0x10  }
0x92: {  	[smem:s4], [sflag:s15] =	dma.local [hbm:s2], $0x1  }
0x93: {  	_ =	swait.eq [sflag:s15], $0x1  }
0x94: {  	[sflag:s15] =	ssyncset.done $0x0  }
0x95: {  	s16 =	sld [smem:$0x10];
	[sflag:s15] =	ssyncadd.s32 $0xFFFFFFFF  }
0x96: {  	s17 =	sld [smem:$0x12];
	(tm) =	ssettm $0x1  }
0x97: {  	s18 =	sld [smem:$0x3FFB];
	_ =	sdelay $0x3  }
0x98: {  	_ =	strace s18  }
0x99: {  	s4 =	sld [smem:$0x3FFC];
	_ =	sdelay $0x3  }
0x9a: {  	_ =	strace s4  }
0x9b: {  	s4 =	sld [smem:$0x3FFD];
	_ =	sdelay $0x3  }
0x9c: {  	_ =	strace s4  }
0x9d: {  	_ =	strace $0x8FFFFFFF  }
0x9e: {  	s19 =	sld [smem:$0x3FDB];
	_ =	sdelay $0x1  }
0x9f: {  	s5 =	simm.s32 $_scs_section_size  }
0xa0: {  	s6 =	simm.s32 $_size__tile_overlayer_lowered;
	s7 =	simm.s32 $_tile_overlayer_lowered  }
0xa1: {  	s22 =	simm.s32 $0x1BFF;
	s21 =	sshll.u32 s7, $0x1;
	s4 =	sadd.s32 s5, s19  }
0xa2: {  	s8 =	simm.s32 $0x0;
	s20 =	sshll.u32 s6, $0x1;
	s6 =	sadd.s32 s21, s4  }
0xa3: {  	[timem:s8], [sflag:s22] =	dma.local [hbm:s6], s20  }
0xa4: {  	_ =	swait.ge [sflag:s22], s20  }
0xa5: {  	s5 =	ssub.s32 $0x0, s20;
	[sflag:s22] =	ssyncset.done $0x0  }
0xa6: {  	[sflag:s22] =	ssyncadd.s32 s5;
	_ =	sdelay $0x1  }
0xa7: {  	s23 =	simm.s32 $0x1B8B  }
0xa8: {  	_ =	swait.ge [sflag:s23], $0x1  }
0xa9: {  	[sflag:s23] =	ssyncset.done $0x0  }
0xaa: {  	s25 =	simm.s32 $0x1B8E;
	s24 =	sld [smem:$0x3FFE];
	[sflag:s23] =	ssyncadd.s32 $0xFFFFFFFF  }
0xab: {  	s26 =	simm.s32 $execute0_lowered;
	[smem:$0x3FD2] =	sst s25  }
0xac: {  	s6 =	sshll.u32 s26, $0x1;
	_ =	strace $0x80000046;
	[dreg:$0x1] =	wrdreg $0xFFFFFFFF  }
0xad: {  	s28 =	simm.s32 $_size_execute0_lowered;
	s4 =	sadd.s32 s4, s6;
	[dreg:$0x0] =	wrdreg $0x0  }
0xae: {  	s6 =	sshll.u32 s28, $0x1;
	[dreg:$0x2] =	wrdreg s4  }
0xaf: {  	[dreg:$0x3] =	wrdreg s6  }
0xb0: {  	[dreg:$0x4] =	wrdreg $0xC0  }
0xb1: {  	_ =	task [dreg:s8], $0x5FFFF  }
0xb2: {  	[dreg:$0x1] =	wrdreg $0xFFFFFFFF  }
0xb3: {  	[dreg:$0x0] =	wrdreg $0x60  }
0xb4: {  	[dreg:$0x2] =	wrdreg s16  }
0xb5: {  	[dreg:$0x3] =	wrdreg s17  }
0xb6: {  	[dreg:$0x4] =	wrdreg s24  }
0xb7: {  	[dreg:$0x5] =	wrdreg $0x9  }
0xb8: {  	_ =	task.clear_ibuf [dreg:s8], $0x6FFFF;
	_ =	strace $0x90000046  }
0xb9: {  	s29 =	simm.s32 $0x9;
	_ =	strace $0x80000048  }
0xba: {  	_ =	swait.ge [sflag:s29], $0x1  }
0xbb: {  	[sflag:s29] =	ssyncadd.s32 $0xFFFFFFFF  }
0xbc: {  	_ =	strace $0x90000048  }
0xbd: {  	_ =	sfence  }
0xbe: {  	s30 =	sld [smem:$0x0];
	_ =	sdelay $0x2  }
0xbf: {  	s31 =	sshll.u32 s1, $0xD;
	s1 =	sshrl.u32 s1, $0x2  }
0xc0: {  	s3 =	sand.u32 $0x4000, s31;
	s1 =	sadd.s32 s1, s30  }
0xc1: {  	s0 =	sor.u32 s3, s0;
	s1 =	sshll.u32 s1, $0x11  }
0xc2: {  	s0 =	sor.u32 s1, s0  }
0xc3: {  	s0 =	sadd.s32 $0x8F2B, s0  }
0xc4: {  	[sflag:s0] =	ssyncadd.remote.s32 $0x1  }
0xc5: {  	_ =	sfence.sel $0xFFFF  }
0xc6: {  	[dreg:$0x0] =	wrdreg $0xFFFFFFFF;
	(pc) =	sbr.abs _section_cstart, $3  }
0xc7: {  	[dreg:$0x1] =	wrdreg $0xFFFFFFFF  }
0xc8: {  	_ =	task.clear_ibuf [dreg:s8], $0x2FFFF;
	_ =	strace $0x9FFFFFFF  }
0xc9: {  	(tm) =	ssettm $0x7FFFFFFF  }
tec
execute0_lowered:
.L_overlay_start_1:
0x0: {  	(tag) =	ssettag $0x1  }
0x1: {  	s1 =	rddreg [dreg:$0x0]  }
0x2: {  	s2 =	rddreg [dreg:$0x1]  }
0x3: {  	s7 =	rddreg [dreg:$0x2]  }
0x4: {  	s0 =	rddreg [dreg:$0x3];
	s3 =	simm.s32 $0x0;
	s4 =	srdreg.scid  }
0x5: {  	s14 =	simm.s32 $0x100;
	s15 =	simm.s32 $0x4100;
	s16 =	simm.s32 $0x1  }
0x6: {  	s17 =	simm.s32 $0x2;
	s18 =	simm.s32 $0x0;
	[smem:$0x7FF] =	sst s3  }
0x7: {  	s8 =	sand.u32 $0x1, s4;
	s5 =	sadd.s32 $0x3400, s7;
	s4 =	stileid.u32  }
0x8: {  	s6 =	sadd.s32 $0xD200, s7;
	_ =	strace $0x80000047;
	s9 =	ssub.s32 $0x2, s8  }
0x9: {  	s11 =	sshll.u32 s4, $0x1;
	s12 =	sshll.u32 s4, $0xC;
	s30 =	sshll.u32 s4, $0x8  }
0xa: {  	s31 =	sshll.u32 s8, $0x7;
	s13 =	sshll.u32 s8, $0xB;
	s10 =	sshrl.u32 s9, $0x1  }
0xb: {  	s26 =	sor.u32 s11, s8;
	s28 =	sadd.s32 s12, s7;
	s12 =	simm.s32 $0x3  }
0xc: {  	s9 =	ssub.s32 s9, s10;
	s29 =	ssub.s32 $0x9E3, s26;
	s11 =	sadd.s32 s13, s28  }
0xd: {  	s13 =	simm.s32 $0x80;
	s7 =	smax.u32 s9, $0x1;
	s8 =	sshrl.u32 s29, $0x5  }
0xe: {  	s9 =	sor.u32 s31, s30;
	s10 =	sadd.s32 $0x17000, s11;
	s11 =	sadd.s32 $0x4F9000, s11  }
.LBB2_1:
0xf: {  	p1 =	sne.s32 s8, $0x1  }
.Ltmp0:
0x10: {  	_ = 	snop;
	(pc) =	sbr.rel @!p1 .LBB2_2-.Ltmp0, $2  }
0x11: {  	_ =	sdelay $0x2  }
0x12: {  	s19 =	sadd.s32 $0xFFFFFFFF, s8;
	s23 =	sshrl.u32 s9, $0x3;
	p0 =	por $0x0, $0x0  }
0x13: {  	s20 =	sadd.s32 s5, s23  }
0x14: {  	[tilespmem:s3], [sflag:$0x3] =	stream.linear.gather [hbm4b:s20+s3], $0x80, $0x38;
	[tilespmem:$0x8100] =	vst v63  }
0x15: {  	_ =	swait.ge [sflag:s12], $0x80  }
0x16: {  	[sflag:s12] =	ssyncset.done $0x0  }
0x17: {  	s31 =	sadd.s32 s6, s23;
	[sflag:s12] =	ssyncadd.s32 $0xFFFFFF80  }
0x18: {  	[tilespmem:s13], [sflag:$0x3] =	stream.linear.gather [hbm4b:s31+s3], $0x80, $0x38;
	[tilespmem:$0x8100] =	vst v63  }
0x19: {  	_ =	swait.ge [sflag:s12], $0x80  }
0x1a: {  	[sflag:s12] =	ssyncset.done $0x0  }
0x1b: {  	[sflag:s12] =	ssyncadd.s32 $0xFFFFFF80  }
0x1c: {  	[tilespmem:s14], [sflag:$0x1] =	stream.indirect.gather [hbm4b:s1+s13], $0x80, s3, s13, $0xb8;
	[tilespmem:$0x8100] =	vst v63  }
0x1d: {  	_ = 	snop  }
0x1e: {  	[tilespmem:s15], [sflag:$0x2] =	stream.indirect.gather [hbm4b:s2+s13], $0x80, s13, s13, $0xb8;
	[tilespmem:$0x8100] =	vst v63  }
0x1f: {  	_ =	swait.ge [sflag:s16], $0x4000  }
0x20: {  	[sflag:s16] =	ssyncset.done $0x0  }
0x21: {  	[sflag:s16] =	ssyncadd.s32 $0xFFFFC000  }
0x22: {  	_ =	swait.ge [sflag:s17], $0x4000  }
0x23: {  	[sflag:s17] =	ssyncset.done $0x0  }
0x24: {  	[sflag:s17] =	ssyncadd.s32 $0xFFFFC000  }
0x25: {  	[hbm4b:s10+s3] =	stream.linear.scatter [tilespmem:s14], [sflag:$0x3], $0x4000, $0x38;
	[tilespmem:$0x8100] =	vst v63  }
0x26: {  	p1 =	sne.s32 s19, $0x1;
	_ =	swait.ge [sflag:s12], $0x4000  }
.Ltmp1:
0x27: {  	[sflag:s12] =	ssyncset.done $0x0;
	(pc) =	sbr.rel @!p1 .LBB2_4-.Ltmp1, $4  }
0x28: {  	s21 =	sadd.s32 $0x1000, s9;
	s22 =	sadd.s32 $0xFFFFFFFF, s19;
	[sflag:s12] =	ssyncadd.s32 $0xFFFFC000  }
0x29: {  	[hbm4b:s11+s3] =	stream.linear.scatter [tilespmem:s15], [sflag:$0x3], $0x4000, $0x38;
	[tilespmem:$0x8100] =	vst v63  }
0x2a: {  	s19 =	sadd.s32 $0x10000, s11;
	p0 =	por $0x1, $0x1;
	_ =	swait.ge [sflag:s12], $0x4000  }
0x2b: {  	s23 =	sshrl.u32 s21, $0x3;
	s20 =	smov.u32 s10;
	[sflag:s12] =	ssyncset.done $0x0  }
.LBB2_5:
0x2c: {  	s24 =	sadd.s32 s5, s23;
	[sflag:s12] =	ssyncadd.s32 $0xFFFFC000;
	s20 =	sadd.s32 $0x10000, s20  }
0x2d: {  	[tilespmem:s3], [sflag:$0x3] =	stream.linear.gather [hbm4b:s24+s3], $0x80, $0x38;
	[tilespmem:$0x8100] =	vst v63  }
0x2e: {  	p1 =	sne.s32 s22, $0x1;
	s22 =	sadd.s32 $0xFFFFFFFF, s22;
	_ =	swait.ge [sflag:s12], $0x80  }
0x2f: {  	[sflag:s12] =	ssyncset.done $0x0  }
0x30: {  	s23 =	sadd.s32 s6, s23;
	[sflag:s12] =	ssyncadd.s32 $0xFFFFFF80  }
0x31: {  	[tilespmem:s13], [sflag:$0x3] =	stream.linear.gather [hbm4b:s23+s3], $0x80, $0x38;
	[tilespmem:$0x8100] =	vst v63  }
0x32: {  	_ =	swait.ge [sflag:s12], $0x80  }
0x33: {  	[sflag:s12] =	ssyncset.done $0x0  }
0x34: {  	[sflag:s12] =	ssyncadd.s32 $0xFFFFFF80  }
0x35: {  	[tilespmem:s14], [sflag:$0x1] =	stream.indirect.gather [hbm4b:s1+s13], $0x80, s3, s13, $0xb8;
	[tilespmem:$0x8100] =	vst v63  }
0x36: {  	_ = 	snop  }
0x37: {  	[tilespmem:s15], [sflag:$0x2] =	stream.indirect.gather [hbm4b:s2+s13], $0x80, s13, s13, $0xb8;
	[tilespmem:$0x8100] =	vst v63  }
0x38: {  	_ =	swait.ge [sflag:s16], $0x4000  }
0x39: {  	[sflag:s16] =	ssyncset.done $0x0  }
0x3a: {  	[sflag:s16] =	ssyncadd.s32 $0xFFFFC000  }
0x3b: {  	_ =	swait.ge [sflag:s17], $0x4000  }
0x3c: {  	[sflag:s17] =	ssyncset.done $0x0  }
0x3d: {  	[sflag:s17] =	ssyncadd.s32 $0xFFFFC000  }
0x3e: {  	[hbm4b:s20+s3] =	stream.linear.scatter [tilespmem:s14], [sflag:$0x3], $0x4000, $0x38;
	[tilespmem:$0x8100] =	vst v63  }
0x3f: {  	_ =	swait.ge [sflag:s12], $0x4000  }
.Ltmp2:
0x40: {  	[sflag:s12] =	ssyncset.done $0x0;
	(pc) =	sbr.rel @p1 .LBB2_5-.Ltmp2, $4  }
0x41: {  	[sflag:s12] =	ssyncadd.s32 $0xFFFFC000  }
0x42: {  	[hbm4b:s19+s3] =	stream.linear.scatter [tilespmem:s15], [sflag:$0x3], $0x4000, $0x38;
	[tilespmem:$0x8100] =	vst v63  }
0x43: {  	s21 =	sadd.s32 $0x1000, s21;
	_ =	swait.ge [sflag:s12], $0x4000  }
0x44: {  	s23 =	sshrl.u32 s21, $0x3;
	s19 =	sadd.s32 $0x10000, s19;
	[sflag:s12] =	ssyncset.done $0x0  }
.LBB2_6:
0x45: {  	s21 =	sadd.s32 s5, s23;
	[sflag:s12] =	ssyncadd.s32 @p0 $0xFFFFC000  }
0x46: {  	[tilespmem:s3], [sflag:$0x3] =	stream.linear.gather [hbm4b:s21+s3], $0x80, $0x38;
	[tilespmem:$0x8100] =	vst v63  }
0x47: {  	_ =	swait.ge [sflag:s12], $0x80  }
0x48: {  	[sflag:s12] =	ssyncset.done $0x0  }
0x49: {  	s31 =	sadd.s32 s6, s23;
	[sflag:s12] =	ssyncadd.s32 $0xFFFFFF80  }
0x4a: {  	[tilespmem:s13], [sflag:$0x3] =	stream.linear.gather [hbm4b:s31+s3], $0x80, $0x38;
	[tilespmem:$0x8100] =	vst v63  }
0x4b: {  	_ =	swait.ge [sflag:s12], $0x80  }
0x4c: {  	[sflag:s12] =	ssyncset.done $0x0  }
0x4d: {  	[sflag:s12] =	ssyncadd.s32 $0xFFFFFF80  }
0x4e: {  	[tilespmem:s14], [sflag:$0x1] =	stream.indirect.gather [hbm4b:s1+s13], $0x80, s3, s13, $0xb8;
	[tilespmem:$0x8100] =	vst v63  }
0x4f: {  	_ = 	snop  }
0x50: {  	[tilespmem:s15], [sflag:$0x2] =	stream.indirect.gather [hbm4b:s2+s13], $0x80, s13, s13, $0xb8;
	[tilespmem:$0x8100] =	vst v63  }
0x51: {  	_ =	swait.ge [sflag:s16], $0x4000  }
0x52: {  	[sflag:s16] =	ssyncset.done $0x0  }
0x53: {  	[sflag:s16] =	ssyncadd.s32 $0xFFFFC000  }
0x54: {  	_ =	swait.ge [sflag:s17], $0x4000  }
0x55: {  	s20 =	sadd.s32 @p0 $0x10000, s20;
	s21 =	smov.u32 s10;
	[sflag:s17] =	ssyncset.done $0x0  }
0x56: {  	s21 =	smov.u32 @p0 s20;
	[sflag:s17] =	ssyncadd.s32 $0xFFFFC000  }
0x57: {  	[hbm4b:s21+s3] =	stream.linear.scatter [tilespmem:s14], [sflag:$0x3], $0x4000, $0x38;
	[tilespmem:$0x8100] =	vst v63  }
0x58: {  	_ =	swait.ge [sflag:s12], $0x4000  }
0x59: {  	s18 =	sadd.s32 $0x1, s18;
	[sflag:s12] =	ssyncset.done $0x0  }
0x5a: {  	p0 =	sne.s32 s18, s7;
	[sflag:s12] =	ssyncadd.s32 $0xFFFFC000  }
0x5b: {  	[hbm4b:s19+s3] =	stream.linear.scatter [tilespmem:s15], [sflag:$0x3], $0x4000, $0x38;
	[tilespmem:$0x8100] =	vst v63  }
.Ltmp3:
0x5c: {  	_ = 	snop;
	(pc) =	sbr.rel @p0 .LBB2_1-.Ltmp3, $4  }
.Ltmp4:
0x5d: {  	_ = 	snop;
	(pc) =	sbr.rel @!p0 .LBB2_7-.Ltmp4, $4  }
0x5e: {  	_ =	swait.ge [sflag:s12], $0x4000  }
0x5f: {  	[sflag:s12] =	ssyncset.done $0x0  }
0x60: {  	[sflag:s12] =	ssyncadd.s32 $0xFFFFC000  }
0x61: {  	_ = 	snop  }
.LBB2_2:
.Ltmp5:
0x62: {  	(pc) =	sbr.rel .LBB2_6-.Ltmp5, $2  }
0x63: {  	_ =	sdelay $0x2  }
0x64: {  	s20 =	smov.u32 s10;
	s19 =	smov.u32 s11  }
.LBB2_4:
.Ltmp6:
0x65: {  	(pc) =	sbr.rel .LBB2_6-.Ltmp6, $2  }
0x66: {  	_ =	sdelay $0x2  }
0x67: {  	s20 =	smov.u32 s10  }
.LBB2_7:
0x68: {  	_ =	sfence.sel $0x180000  }
0x69: {  	[bflag:$0x0] =	sbarrier.arrive $0xFFFF  }
0x6a: {  	p0 =	sne.s32 s4, $0x0;
	_ =	strace $0x90000047  }
0x6b: {  	s0 =	sadd.s32 @!p0 $0x100000, s0;
	[bflag:$0x2] =	sbarrier.arrive $0xFFFF  }
0x6c: {  	[sflag:s0] =	ssyncadd.tile.s32 @!p0 $0x1;
	_ =	shalt  }
.Lfunc_end2:
_tile_overlayer_lowered:
.L_overlay_start_2:
0x6d: {  	(tag) =	ssettag $0x2  }
0x6e: {  	s0 =	rddreg [dreg:$0x0];
	s2 =	stileid.u32  }
0x6f: {  	s1 =	rddreg [dreg:$0x1];
	p0 =	sne.s32 s2, $0x0  }
0x70: {  	s3 =	rddreg [dreg:$0x2];
	[bflag:$0x3] =	sbarrier.arrive $0xFFFF;
	s2 =	simm.s32 @!p0 $0x1C03  }
0x71: {  	[timem:s3], [sflag:s2] =	dma.local @!p0 [hbm:s0], s1  }
0x72: {  	s0 =	simm.s32 @!p0 $0x3  }
0x73: {  	_ =	swait.ge @!p0 [sflag:s0], s1  }
0x74: {  	s1 =	ssub.s32 @!p0 $0x0, s1;
	[sflag:s0] =	ssyncset.done @!p0 $0x0  }
0x75: {  	[sflag:s0] =	ssyncadd.s32 @!p0 s1  }
0x76: {  	[bflag:$0x3] =	sbarrier.arrive $0xFFFF  }
0x77: {  	_ =	shalt  }

</sc_bundles>
